<compile_context>
chip_gen: v7x
topology: tpu7x:2x2x1
jax: 0.10.2.dev20260603
libtpu: 0.0.44.dev20260713+nightly
codegen_flags: <defaults>
</compile_context>

<pallas_src>
import functools

import jax
import jax.numpy as jnp
from jax import lax
from jax.experimental import pallas as pl
from jax.experimental.pallas import tpu as pltpu
from jax.experimental.pallas import tpu_sc as plsc

_K_ANG = 3200000
_N_WORKERS = 32
_CHUNK = 2000
_LANES = 16

_HALF_PI = 1.5707963267948966
_PI = 3.141592653589793


def _f32(v):
    return jnp.float32(v)


def _atan01(t):
    z = t * t
    p = _f32(-0.0117212)
    p = p * z + _f32(0.05265332)
    p = p * z + _f32(-0.11643287)
    p = p * z + _f32(0.19354346)
    p = p * z + _f32(-0.33262347)
    p = p * z + _f32(0.99997726)
    return t * p


def _sqrt(y2):
    bi = lax.bitcast_convert_type(y2, jnp.int32)
    bi = jnp.int32(0x5F3759DF) - lax.shift_right_logical(bi, 1)
    g = lax.bitcast_convert_type(bi, jnp.float32)
    half = _f32(0.5) * y2
    g = g * (_f32(1.5) - half * g * g)
    g = g * (_f32(1.5) - half * g * g)
    g = g * (_f32(1.5) - half * g * g)
    return y2 * g


def _angle16(a1x, a1y, a1z, a2x, a2y, a2z):
    x = a1x * a2x + a1y * a2y + a1z * a2z
    cx = a1y * a2z - a1z * a2y
    cy = a1z * a2x - a1x * a2z
    cz = a1x * a2y - a1y * a2x
    y = _sqrt(cx * cx + cy * cy + cz * cz)
    ax = jnp.abs(x) + _f32(1e-30)
    t = y / ax
    inv = t > _f32(1.0)
    tt = jnp.where(inv, _f32(1.0) / t, t)
    a = _atan01(tt)
    a = jnp.where(inv, _f32(_HALF_PI) - a, a)
    return jnp.where(x < _f32(0.0), _f32(_PI) - a, a)


def _make_sc_kernel():
    per_w = _K_ANG // _N_WORKERS
    n_chunks = per_w // _CHUNK
    n_grps = _CHUNK // _LANES
    assert n_chunks % 2 == 0
    mesh = plsc.VectorSubcoreMesh(core_axis_name="c", subcore_axis_name="s")

    buf = lambda dt: pltpu.VMEM((_CHUNK,), dt)
    scratch = []
    for _b in range(2):
        scratch += [buf(jnp.int32), buf(jnp.int32)]
        scratch += [buf(jnp.float32) for _ in range(6)]
        scratch += [buf(jnp.float32)]
        scratch += [pltpu.SemaphoreType.DMA,
                    pltpu.SemaphoreType.DMA]

    @functools.partial(
        pl.kernel,
        out_type=jax.ShapeDtypeStruct((_K_ANG,), jnp.float32),
        mesh=mesh,
        compiler_params=pltpu.CompilerParams(needs_layout_passes=False),
        scratch_types=scratch,
    )
    def k(vx_hbm, vy_hbm, vz_hbm, idx0_hbm, idx1_hbm, out_hbm, *bufs):
        slots = [bufs[i * 11:(i + 1) * 11] for i in range(2)]
        wid = lax.axis_index("s") * 2 + lax.axis_index("c")
        base = wid * per_w

        def issue(b, off):
            i0_v, i1_v, g1x, g1y, g1z, g2x, g2y, g2z, _o, sem, _so = slots[b]
            pltpu.sync_copy(idx0_hbm.at[pl.ds(off, _CHUNK)], i0_v)
            pltpu.sync_copy(idx1_hbm.at[pl.ds(off, _CHUNK)], i1_v)
            pltpu.async_copy(vx_hbm.at[i0_v], g1x, sem)
            pltpu.async_copy(vy_hbm.at[i0_v], g1y, sem)
            pltpu.async_copy(vz_hbm.at[i0_v], g1z, sem)
            pltpu.async_copy(vx_hbm.at[i1_v], g2x, sem)
            pltpu.async_copy(vy_hbm.at[i1_v], g2y, sem)
            pltpu.async_copy(vz_hbm.at[i1_v], g2z, sem)

        def drain_gathers(b):
            i0_v, _i1, g1x, g1y, g1z, g2x, g2y, g2z, _o, sem, _so = slots[b]
            for g in (g1x, g1y, g1z, g2x, g2y, g2z):
                pltpu.make_async_copy(vx_hbm.at[i0_v], g, sem).wait()

        def compute_and_store(b, ci):
            (_i0, _i1, g1x, g1y, g1z, g2x, g2y, g2z, o_v, _sem,
             semo) = slots[b]
            off = base + ci * _CHUNK

            def grp_body(gi, c2):
                s = pl.ds(gi * _LANES, _LANES)
                o_v[s] = _angle16(g1x[s], g1y[s], g1z[s],
                                  g2x[s], g2y[s], g2z[s])
                return c2

            @pl.when(ci >= 2)
            def _():
                pltpu.make_async_copy(
                    o_v, out_hbm.at[pl.ds(off, _CHUNK)], semo).wait()

            lax.fori_loop(0, n_grps, grp_body, 0, unroll=False)
            pltpu.async_copy(o_v, out_hbm.at[pl.ds(off, _CHUNK)], semo)

        issue(0, base)

        def pair_body(pi, carry):
            for b in range(2):
                ci = pi * 2 + b

                @pl.when(ci + 1 < n_chunks)
                def _():
                    issue(1 - b, base + (ci + 1) * _CHUNK)

                drain_gathers(b)
                compute_and_store(b, ci)
            return carry

        lax.fori_loop(0, n_chunks // 2, pair_body, 0, unroll=False)
        for b in range(2):
            o_v, semo = slots[b][8], slots[b][10]
            pltpu.make_async_copy(
                o_v, out_hbm.at[pl.ds(base, _CHUNK)], semo).wait()

    return k


_sc_kernel = _make_sc_kernel()


def kernel(vector, angle_index):
    vx = vector[:, 0]
    vy = vector[:, 1]
    vz = vector[:, 2]
    angles = _sc_kernel(vx, vy, vz, angle_index[0], angle_index[1])
    return angles[:, None]

# --- scband reference (transcript-rebuilt; emitter-appended) ---
"""Pipeline reference for scband-edge-angle-67559835566330 (READ-ONLY COPY).

The authoritative reference and input builder live on the scoring server;
editing this copy changes nothing except your own understanding.
"""

import jax, jax.numpy as jnp
import numpy as np

N_VEC = 1600000
K_ANG = 3200000
VECTOR_SCALE = (1.0, 1.0)


def setup_inputs(seed: int = 0) -> dict:
    key = jax.random.key(seed)
    k1, k2 = jax.random.split(key)
    vector = jax.random.normal(k1, (N_VEC, 3), dtype=jnp.float32)
    angle_index = jax.random.randint(k2, (2, K_ANG), 0, N_VEC, dtype=jnp.int32)
    return {"vector": vector, "angle_index": angle_index}


def reference(vector, angle_index):
    # GatherNodes([0, 1], concat_axis=None): gather vectors at the two index rows
    v1 = jnp.take(vector, angle_index[0], axis=0)
    v2 = jnp.take(vector, angle_index[1], axis=0)
    # optional vector_scale
    v1 = v1 * jnp.asarray(VECTOR_SCALE[0], dtype=v1.dtype)
    v2 = v2 * jnp.asarray(VECTOR_SCALE[1], dtype=v2.dtype)
    # VectorAngle: theta = arctan2(||v1 x v2||, v1 . v2)
    x = jnp.sum(v1 * v2, axis=-1)
    y = jnp.cross(v1, v2)
    y = jnp.sqrt(jnp.sum(jnp.square(y), axis=-1))
    angle = jnp.arctan2(y, x)
    return jnp.expand_dims(angle, axis=-1)

if __name__ == "__main__":
    import jax
    _d = setup_inputs()
    print(jax.jit(kernel)(*tuple(_d.values())))

</pallas_src>

<mosaic_0001>
#map = affine_map<(d0, d1) -> (0)>
module attributes {stable_mosaic.version = 14 : i64} {
  func.func @k(%arg0: i32, %arg1: i32, %arg2: memref<1600000xf32, #tpu.memory_space<hbm>>, %arg3: memref<1600000xf32, #tpu.memory_space<hbm>>, %arg4: memref<1600000xf32, #tpu.memory_space<hbm>>, %arg5: memref<3200000xi32, #tpu.memory_space<hbm>>, %arg6: memref<3200000xi32, #tpu.memory_space<hbm>>, %arg7: memref<3200000xf32, #tpu.memory_space<hbm>>, %arg8: memref<2000xi32, #tpu.memory_space<vmem>>, %arg9: memref<2000xi32, #tpu.memory_space<vmem>>, %arg10: memref<2000xf32, #tpu.memory_space<vmem>>, %arg11: memref<2000xf32, #tpu.memory_space<vmem>>, %arg12: memref<2000xf32, #tpu.memory_space<vmem>>, %arg13: memref<2000xf32, #tpu.memory_space<vmem>>, %arg14: memref<2000xf32, #tpu.memory_space<vmem>>, %arg15: memref<2000xf32, #tpu.memory_space<vmem>>, %arg16: memref<2000xf32, #tpu.memory_space<vmem>>, %arg17: memref<!tpu.dma_semaphore, #tpu.memory_space<semaphore_mem>>, %arg18: memref<!tpu.dma_semaphore, #tpu.memory_space<semaphore_mem>>, %arg19: memref<2000xi32, #tpu.memory_space<vmem>>, %arg20: memref<2000xi32, #tpu.memory_space<vmem>>, %arg21: memref<2000xf32, #tpu.memory_space<vmem>>, %arg22: memref<2000xf32, #tpu.memory_space<vmem>>, %arg23: memref<2000xf32, #tpu.memory_space<vmem>>, %arg24: memref<2000xf32, #tpu.memory_space<vmem>>, %arg25: memref<2000xf32, #tpu.memory_space<vmem>>, %arg26: memref<2000xf32, #tpu.memory_space<vmem>>, %arg27: memref<2000xf32, #tpu.memory_space<vmem>>, %arg28: memref<!tpu.dma_semaphore, #tpu.memory_space<semaphore_mem>>, %arg29: memref<!tpu.dma_semaphore, #tpu.memory_space<semaphore_mem>>) attributes {dimension_semantics = [#tpu.dimension_semantics<core_parallel>, #tpu.dimension_semantics<subcore_parallel>], iteration_bounds = array<i64: 2, 16>, scalar_prefetch = 0 : i64, scratch_operands = 22 : i64, tpu.core_type = #tpu.core_type<sc_vector_subcore>, window_params = [{transform_indices = #map}, {transform_indices = #map}, {transform_indices = #map}, {transform_indices = #map}, {transform_indices = #map}, {transform_indices = #map}]} {
    %mul3A = arith.constant 2 : i32
    %mul3A_0 = arith.muli %arg1, %mul3A : i32
    %add3A = arith.addi %mul3A_0, %arg0 : i32
    %mul3A_1 = arith.constant 100000 : i32
    %mul3A_2 = arith.muli %add3A, %mul3A_1 : i32
    "tpu.region"() ({
      %run_scoped3A = tpu.sem_alloc : memref<!tpu.dma_semaphore, #tpu.memory_space<semaphore_mem>>
      %dma_start3A_22 = tpu.memref_slice %arg5[%mul3A_2] : memref<3200000xi32, #tpu.memory_space<hbm>> -> memref<2000xi32, #tpu.memory_space<hbm>>
      %dma_start3A_23 = tpu.memref_slice %arg5[%mul3A_2] : memref<3200000xi32, #tpu.memory_space<hbm>> -> memref<2000xi32, #tpu.memory_space<hbm>>
      tpu.enqueue_dma source(%dma_start3A_23 : memref<2000xi32, #tpu.memory_space<hbm>>) target(%arg8 : memref<2000xi32, #tpu.memory_space<vmem>>) target_semaphore(%run_scoped3A : memref<!tpu.dma_semaphore, #tpu.memory_space<semaphore_mem>>)
      %dma_wait3A_24 = tpu.memref_slice %arg5[%mul3A_2] : memref<3200000xi32, #tpu.memory_space<hbm>> -> memref<2000xi32, #tpu.memory_space<hbm>>
      %dma_wait3A_25 = tpu.memref_slice %arg5[%mul3A_2] : memref<3200000xi32, #tpu.memory_space<hbm>> -> memref<2000xi32, #tpu.memory_space<hbm>>
      tpu.wait_dma2 semaphore(%run_scoped3A : memref<!tpu.dma_semaphore, #tpu.memory_space<semaphore_mem>>) src(%dma_wait3A_25 : memref<2000xi32, #tpu.memory_space<hbm>>) dst(%arg8 : memref<2000xi32, #tpu.memory_space<vmem>>)
      tpu.yield
    }) : () -> ()
    "tpu.region"() ({
      %run_scoped3A = tpu.sem_alloc : memref<!tpu.dma_semaphore, #tpu.memory_space<semaphore_mem>>
      %dma_start3A_22 = tpu.memref_slice %arg6[%mul3A_2] : memref<3200000xi32, #tpu.memory_space<hbm>> -> memref<2000xi32, #tpu.memory_space<hbm>>
      %dma_start3A_23 = tpu.memref_slice %arg6[%mul3A_2] : memref<3200000xi32, #tpu.memory_space<hbm>> -> memref<2000xi32, #tpu.memory_space<hbm>>
      tpu.enqueue_dma source(%dma_start3A_23 : memref<2000xi32, #tpu.memory_space<hbm>>) target(%arg9 : memref<2000xi32, #tpu.memory_space<vmem>>) target_semaphore(%run_scoped3A : memref<!tpu.dma_semaphore, #tpu.memory_space<semaphore_mem>>)
      %dma_wait3A_24 = tpu.memref_slice %arg6[%mul3A_2] : memref<3200000xi32, #tpu.memory_space<hbm>> -> memref<2000xi32, #tpu.memory_space<hbm>>
      %dma_wait3A_25 = tpu.memref_slice %arg6[%mul3A_2] : memref<3200000xi32, #tpu.memory_space<hbm>> -> memref<2000xi32, #tpu.memory_space<hbm>>
      tpu.wait_dma2 semaphore(%run_scoped3A : memref<!tpu.dma_semaphore, #tpu.memory_space<semaphore_mem>>) src(%dma_wait3A_25 : memref<2000xi32, #tpu.memory_space<hbm>>) dst(%arg9 : memref<2000xi32, #tpu.memory_space<vmem>>)
      tpu.yield
    }) : () -> ()
    %dma_start3A = arith.constant 0 : i32
    %dma_start3A_3 = tpu.memref_slice %arg2[%dma_start3A] : memref<1600000xf32, #tpu.memory_space<hbm>> -> memref<1600000xf32, #tpu.memory_space<hbm>>
    tpu.enqueue_indirect_dma source(%dma_start3A_3 : memref<1600000xf32, #tpu.memory_space<hbm>>) target(%arg10 : memref<2000xf32, #tpu.memory_space<vmem>>) offsets(%arg8 : memref<2000xi32, #tpu.memory_space<vmem>>) semaphore(%arg17 : memref<!tpu.dma_semaphore, #tpu.memory_space<semaphore_mem>>)
    %dma_start3A_4 = arith.constant 0 : i32
    %dma_start3A_5 = tpu.memref_slice %arg3[%dma_start3A_4] : memref<1600000xf32, #tpu.memory_space<hbm>> -> memref<1600000xf32, #tpu.memory_space<hbm>>
    tpu.enqueue_indirect_dma source(%dma_start3A_5 : memref<1600000xf32, #tpu.memory_space<hbm>>) target(%arg11 : memref<2000xf32, #tpu.memory_space<vmem>>) offsets(%arg8 : memref<2000xi32, #tpu.memory_space<vmem>>) semaphore(%arg17 : memref<!tpu.dma_semaphore, #tpu.memory_space<semaphore_mem>>)
    %dma_start3A_6 = arith.constant 0 : i32
    %dma_start3A_7 = tpu.memref_slice %arg4[%dma_start3A_6] : memref<1600000xf32, #tpu.memory_space<hbm>> -> memref<1600000xf32, #tpu.memory_space<hbm>>
    tpu.enqueue_indirect_dma source(%dma_start3A_7 : memref<1600000xf32, #tpu.memory_space<hbm>>) target(%arg12 : memref<2000xf32, #tpu.memory_space<vmem>>) offsets(%arg8 : memref<2000xi32, #tpu.memory_space<vmem>>) semaphore(%arg17 : memref<!tpu.dma_semaphore, #tpu.memory_space<semaphore_mem>>)
    %dma_start3A_8 = arith.constant 0 : i32
    %dma_start3A_9 = tpu.memref_slice %arg2[%dma_start3A_8] : memref<1600000xf32, #tpu.memory_space<hbm>> -> memref<1600000xf32, #tpu.memory_space<hbm>>
    tpu.enqueue_indirect_dma source(%dma_start3A_9 : memref<1600000xf32, #tpu.memory_space<hbm>>) target(%arg13 : memref<2000xf32, #tpu.memory_space<vmem>>) offsets(%arg9 : memref<2000xi32, #tpu.memory_space<vmem>>) semaphore(%arg17 : memref<!tpu.dma_semaphore, #tpu.memory_space<semaphore_mem>>)
    %dma_start3A_10 = arith.constant 0 : i32
    %dma_start3A_11 = tpu.memref_slice %arg3[%dma_start3A_10] : memref<1600000xf32, #tpu.memory_space<hbm>> -> memref<1600000xf32, #tpu.memory_space<hbm>>
    tpu.enqueue_indirect_dma source(%dma_start3A_11 : memref<1600000xf32, #tpu.memory_space<hbm>>) target(%arg14 : memref<2000xf32, #tpu.memory_space<vmem>>) offsets(%arg9 : memref<2000xi32, #tpu.memory_space<vmem>>) semaphore(%arg17 : memref<!tpu.dma_semaphore, #tpu.memory_space<semaphore_mem>>)
    %dma_start3A_12 = arith.constant 0 : i32
    %dma_start3A_13 = tpu.memref_slice %arg4[%dma_start3A_12] : memref<1600000xf32, #tpu.memory_space<hbm>> -> memref<1600000xf32, #tpu.memory_space<hbm>>
    tpu.enqueue_indirect_dma source(%dma_start3A_13 : memref<1600000xf32, #tpu.memory_space<hbm>>) target(%arg15 : memref<2000xf32, #tpu.memory_space<vmem>>) offsets(%arg9 : memref<2000xi32, #tpu.memory_space<vmem>>) semaphore(%arg17 : memref<!tpu.dma_semaphore, #tpu.memory_space<semaphore_mem>>)
    %scan3A = arith.constant 0 : i32
    %scan3A_14 = arith.constant 0 : i32
    %scan3A_15 = arith.constant 25 : i32
    %scan3A_16 = arith.addi %scan3A_14, %scan3A_15 : i32
    %scan3A_17 = arith.constant 1 : i32
    scf.for %scan3A_22 = %scan3A_14 to %scan3A_16 step %scan3A_17  : i32 {
      %mul3A_23 = arith.constant 2 : i32
      %mul3A_24 = arith.muli %scan3A_22, %mul3A_23 : i32
      %add3A_25 = arith.constant 0 : i32
      %add3A_26 = arith.addi %mul3A_24, %add3A_25 : i32
      %add3A_27 = arith.constant 1 : i32
      %add3A_28 = arith.addi %add3A_26, %add3A_27 : i32
      %lt3A = arith.constant 50 : i32
      %lt3A_29 = arith.cmpi slt, %add3A_28, %lt3A : i32
      %convert_element_type3A = arith.extui %lt3A_29 : i1 to i32
      %cond3A = arith.constant 0 : i32
      %cond3A_30 = arith.cmpi ne, %convert_element_type3A, %cond3A : i32
      scf.if %cond3A_30 {
        %add3A_97 = arith.constant 1 : i32
        %add3A_98 = arith.addi %add3A_26, %add3A_97 : i32
        %mul3A_99 = arith.constant 2000 : i32
        %mul3A_100 = arith.muli %add3A_98, %mul3A_99 : i32
        %add3A_101 = arith.addi %mul3A_2, %mul3A_100 : i32
        "tpu.region"() ({
          %run_scoped3A = tpu.sem_alloc : memref<!tpu.dma_semaphore, #tpu.memory_space<semaphore_mem>>
          %dma_start3A_114 = tpu.memref_slice %arg5[%add3A_101] : memref<3200000xi32, #tpu.memory_space<hbm>> -> memref<2000xi32, #tpu.memory_space<hbm>>
          %dma_start3A_115 = tpu.memref_slice %arg5[%add3A_101] : memref<3200000xi32, #tpu.memory_space<hbm>> -> memref<2000xi32, #tpu.memory_space<hbm>>
          tpu.enqueue_dma source(%dma_start3A_115 : memref<2000xi32, #tpu.memory_space<hbm>>) target(%arg19 : memref<2000xi32, #tpu.memory_space<vmem>>) target_semaphore(%run_scoped3A : memref<!tpu.dma_semaphore, #tpu.memory_space<semaphore_mem>>)
          %dma_wait3A_116 = tpu.memref_slice %arg5[%add3A_101] : memref<3200000xi32, #tpu.memory_space<hbm>> -> memref<2000xi32, #tpu.memory_space<hbm>>
          %dma_wait3A_117 = tpu.memref_slice %arg5[%add3A_101] : memref<3200000xi32, #tpu.memory_space<hbm>> -> memref<2000xi32, #tpu.memory_space<hbm>>
          tpu.wait_dma2 semaphore(%run_scoped3A : memref<!tpu.dma_semaphore, #tpu.memory_space<semaphore_mem>>) src(%dma_wait3A_117 : memref<2000xi32, #tpu.memory_space<hbm>>) dst(%arg19 : memref<2000xi32, #tpu.memory_space<vmem>>)
          tpu.yield
        }) : () -> ()
        "tpu.region"() ({
          %run_scoped3A = tpu.sem_alloc : memref<!tpu.dma_semaphore, #tpu.memory_space<semaphore_mem>>
          %dma_start3A_114 = tpu.memref_slice %arg6[%add3A_101] : memref<3200000xi32, #tpu.memory_space<hbm>> -> memref<2000xi32, #tpu.memory_space<hbm>>
          %dma_start3A_115 = tpu.memref_slice %arg6[%add3A_101] : memref<3200000xi32, #tpu.memory_space<hbm>> -> memref<2000xi32, #tpu.memory_space<hbm>>
          tpu.enqueue_dma source(%dma_start3A_115 : memref<2000xi32, #tpu.memory_space<hbm>>) target(%arg20 : memref<2000xi32, #tpu.memory_space<vmem>>) target_semaphore(%run_scoped3A : memref<!tpu.dma_semaphore, #tpu.memory_space<semaphore_mem>>)
          %dma_wait3A_116 = tpu.memref_slice %arg6[%add3A_101] : memref<3200000xi32, #tpu.memory_space<hbm>> -> memref<2000xi32, #tpu.memory_space<hbm>>
          %dma_wait3A_117 = tpu.memref_slice %arg6[%add3A_101] : memref<3200000xi32, #tpu.memory_space<hbm>> -> memref<2000xi32, #tpu.memory_space<hbm>>
          tpu.wait_dma2 semaphore(%run_scoped3A : memref<!tpu.dma_semaphore, #tpu.memory_space<semaphore_mem>>) src(%dma_wait3A_117 : memref<2000xi32, #tpu.memory_space<hbm>>) dst(%arg20 : memref<2000xi32, #tpu.memory_space<vmem>>)
          tpu.yield
        }) : () -> ()
        %dma_start3A_102 = arith.constant 0 : i32
        %dma_start3A_103 = tpu.memref_slice %arg2[%dma_start3A_102] : memref<1600000xf32, #tpu.memory_space<hbm>> -> memref<1600000xf32, #tpu.memory_space<hbm>>
        tpu.enqueue_indirect_dma source(%dma_start3A_103 : memref<1600000xf32, #tpu.memory_space<hbm>>) target(%arg21 : memref<2000xf32, #tpu.memory_space<vmem>>) offsets(%arg19 : memref<2000xi32, #tpu.memory_space<vmem>>) semaphore(%arg28 : memref<!tpu.dma_semaphore, #tpu.memory_space<semaphore_mem>>)
        %dma_start3A_104 = arith.constant 0 : i32
        %dma_start3A_105 = tpu.memref_slice %arg3[%dma_start3A_104] : memref<1600000xf32, #tpu.memory_space<hbm>> -> memref<1600000xf32, #tpu.memory_space<hbm>>
        tpu.enqueue_indirect_dma source(%dma_start3A_105 : memref<1600000xf32, #tpu.memory_space<hbm>>) target(%arg22 : memref<2000xf32, #tpu.memory_space<vmem>>) offsets(%arg19 : memref<2000xi32, #tpu.memory_space<vmem>>) semaphore(%arg28 : memref<!tpu.dma_semaphore, #tpu.memory_space<semaphore_mem>>)
        %dma_start3A_106 = arith.constant 0 : i32
        %dma_start3A_107 = tpu.memref_slice %arg4[%dma_start3A_106] : memref<1600000xf32, #tpu.memory_space<hbm>> -> memref<1600000xf32, #tpu.memory_space<hbm>>
        tpu.enqueue_indirect_dma source(%dma_start3A_107 : memref<1600000xf32, #tpu.memory_space<hbm>>) target(%arg23 : memref<2000xf32, #tpu.memory_space<vmem>>) offsets(%arg19 : memref<2000xi32, #tpu.memory_space<vmem>>) semaphore(%arg28 : memref<!tpu.dma_semaphore, #tpu.memory_space<semaphore_mem>>)
        %dma_start3A_108 = arith.constant 0 : i32
        %dma_start3A_109 = tpu.memref_slice %arg2[%dma_start3A_108] : memref<1600000xf32, #tpu.memory_space<hbm>> -> memref<1600000xf32, #tpu.memory_space<hbm>>
        tpu.enqueue_indirect_dma source(%dma_start3A_109 : memref<1600000xf32, #tpu.memory_space<hbm>>) target(%arg24 : memref<2000xf32, #tpu.memory_space<vmem>>) offsets(%arg20 : memref<2000xi32, #tpu.memory_space<vmem>>) semaphore(%arg28 : memref<!tpu.dma_semaphore, #tpu.memory_space<semaphore_mem>>)
        %dma_start3A_110 = arith.constant 0 : i32
        %dma_start3A_111 = tpu.memref_slice %arg3[%dma_start3A_110] : memref<1600000xf32, #tpu.memory_space<hbm>> -> memref<1600000xf32, #tpu.memory_space<hbm>>
        tpu.enqueue_indirect_dma source(%dma_start3A_111 : memref<1600000xf32, #tpu.memory_space<hbm>>) target(%arg25 : memref<2000xf32, #tpu.memory_space<vmem>>) offsets(%arg20 : memref<2000xi32, #tpu.memory_space<vmem>>) semaphore(%arg28 : memref<!tpu.dma_semaphore, #tpu.memory_space<semaphore_mem>>)
        %dma_start3A_112 = arith.constant 0 : i32
        %dma_start3A_113 = tpu.memref_slice %arg4[%dma_start3A_112] : memref<1600000xf32, #tpu.memory_space<hbm>> -> memref<1600000xf32, #tpu.memory_space<hbm>>
        tpu.enqueue_indirect_dma source(%dma_start3A_113 : memref<1600000xf32, #tpu.memory_space<hbm>>) target(%arg26 : memref<2000xf32, #tpu.memory_space<vmem>>) offsets(%arg20 : memref<2000xi32, #tpu.memory_space<vmem>>) semaphore(%arg28 : memref<!tpu.dma_semaphore, #tpu.memory_space<semaphore_mem>>)
      } else {
      }
      %dma_wait3A_31 = arith.constant 0 : i32
      %dma_wait3A_32 = tpu.memref_slice %arg2[%dma_wait3A_31] : memref<1600000xf32, #tpu.memory_space<hbm>> -> memref<1600000xf32, #tpu.memory_space<hbm>>
      tpu.wait_indirect_dma semaphore(%arg17 : memref<!tpu.dma_semaphore, #tpu.memory_space<semaphore_mem>>) src(%dma_wait3A_32 : memref<1600000xf32, #tpu.memory_space<hbm>>) dst(%arg10 : memref<2000xf32, #tpu.memory_space<vmem>>)
      %dma_wait3A_33 = arith.constant 0 : i32
      %dma_wait3A_34 = tpu.memref_slice %arg2[%dma_wait3A_33] : memref<1600000xf32, #tpu.memory_space<hbm>> -> memref<1600000xf32, #tpu.memory_space<hbm>>
      tpu.wait_indirect_dma semaphore(%arg17 : memref<!tpu.dma_semaphore, #tpu.memory_space<semaphore_mem>>) src(%dma_wait3A_34 : memref<1600000xf32, #tpu.memory_space<hbm>>) dst(%arg11 : memref<2000xf32, #tpu.memory_space<vmem>>)
      %dma_wait3A_35 = arith.constant 0 : i32
      %dma_wait3A_36 = tpu.memref_slice %arg2[%dma_wait3A_35] : memref<1600000xf32, #tpu.memory_space<hbm>> -> memref<1600000xf32, #tpu.memory_space<hbm>>
      tpu.wait_indirect_dma semaphore(%arg17 : memref<!tpu.dma_semaphore, #tpu.memory_space<semaphore_mem>>) src(%dma_wait3A_36 : memref<1600000xf32, #tpu.memory_space<hbm>>) dst(%arg12 : memref<2000xf32, #tpu.memory_space<vmem>>)
      %dma_wait3A_37 = arith.constant 0 : i32
      %dma_wait3A_38 = tpu.memref_slice %arg2[%dma_wait3A_37] : memref<1600000xf32, #tpu.memory_space<hbm>> -> memref<1600000xf32, #tpu.memory_space<hbm>>
      tpu.wait_indirect_dma semaphore(%arg17 : memref<!tpu.dma_semaphore, #tpu.memory_space<semaphore_mem>>) src(%dma_wait3A_38 : memref<1600000xf32, #tpu.memory_space<hbm>>) dst(%arg13 : memref<2000xf32, #tpu.memory_space<vmem>>)
      %dma_wait3A_39 = arith.constant 0 : i32
      %dma_wait3A_40 = tpu.memref_slice %arg2[%dma_wait3A_39] : memref<1600000xf32, #tpu.memory_space<hbm>> -> memref<1600000xf32, #tpu.memory_space<hbm>>
      tpu.wait_indirect_dma semaphore(%arg17 : memref<!tpu.dma_semaphore, #tpu.memory_space<semaphore_mem>>) src(%dma_wait3A_40 : memref<1600000xf32, #tpu.memory_space<hbm>>) dst(%arg14 : memref<2000xf32, #tpu.memory_space<vmem>>)
      %dma_wait3A_41 = arith.constant 0 : i32
      %dma_wait3A_42 = tpu.memref_slice %arg2[%dma_wait3A_41] : memref<1600000xf32, #tpu.memory_space<hbm>> -> memref<1600000xf32, #tpu.memory_space<hbm>>
      tpu.wait_indirect_dma semaphore(%arg17 : memref<!tpu.dma_semaphore, #tpu.memory_space<semaphore_mem>>) src(%dma_wait3A_42 : memref<1600000xf32, #tpu.memory_space<hbm>>) dst(%arg15 : memref<2000xf32, #tpu.memory_space<vmem>>)
      %mul3A_43 = arith.constant 2000 : i32
      %mul3A_44 = arith.muli %add3A_26, %mul3A_43 : i32
      %add3A_45 = arith.addi %mul3A_2, %mul3A_44 : i32
      %ge3A = arith.constant 2 : i32
      %ge3A_46 = arith.cmpi sge, %add3A_26, %ge3A : i32
      %convert_element_type3A_47 = arith.extui %ge3A_46 : i1 to i32
      %cond3A_48 = arith.constant 0 : i32
      %cond3A_49 = arith.cmpi ne, %convert_element_type3A_47, %cond3A_48 : i32
      scf.if %cond3A_49 {
        %dma_wait3A_97 = tpu.memref_slice %arg7[%add3A_45] : memref<3200000xf32, #tpu.memory_space<hbm>> -> memref<2000xf32, #tpu.memory_space<hbm>>
        %dma_wait3A_98 = tpu.memref_slice %arg7[%add3A_45] : memref<3200000xf32, #tpu.memory_space<hbm>> -> memref<2000xf32, #tpu.memory_space<hbm>>
        tpu.wait_dma2 semaphore(%arg18 : memref<!tpu.dma_semaphore, #tpu.memory_space<semaphore_mem>>) src(%arg16 : memref<2000xf32, #tpu.memory_space<vmem>>) dst(%dma_wait3A_98 : memref<2000xf32, #tpu.memory_space<hbm>>)
      } else {
      }
      %scan3A_50 = arith.constant 0 : i32
      %scan3A_51 = arith.constant 0 : i32
      %scan3A_52 = arith.constant 125 : i32
      %scan3A_53 = arith.addi %scan3A_51, %scan3A_52 : i32
      %scan3A_54 = arith.constant 1 : i32
      scf.for %scan3A_97 = %scan3A_51 to %scan3A_53 step %scan3A_54  : i32 {
        %mul3A_98 = arith.constant 16 : i32
        %mul3A_99 = arith.muli %scan3A_97, %mul3A_98 : i32
        %get3A = arith.index_cast %mul3A_99 : i32 to index
        %get3A_100 = tpu.vector_load %arg10[%get3A] {strides = array<i32>} : memref<2000xf32, #tpu.memory_space<vmem>>, vector<16xf32>,
        %get3A_101 = arith.index_cast %mul3A_99 : i32 to index
        %get3A_102 = tpu.vector_load %arg11[%get3A_101] {strides = array<i32>} : memref<2000xf32, #tpu.memory_space<vmem>>, vector<16xf32>,
        %get3A_103 = arith.index_cast %mul3A_99 : i32 to index
        %get3A_104 = tpu.vector_load %arg12[%get3A_103] {strides = array<i32>} : memref<2000xf32, #tpu.memory_space<vmem>>, vector<16xf32>,
        %get3A_105 = arith.index_cast %mul3A_99 : i32 to index
        %get3A_106 = tpu.vector_load %arg13[%get3A_105] {strides = array<i32>} : memref<2000xf32, #tpu.memory_space<vmem>>, vector<16xf32>,
        %get3A_107 = arith.index_cast %mul3A_99 : i32 to index
        %get3A_108 = tpu.vector_load %arg14[%get3A_107] {strides = array<i32>} : memref<2000xf32, #tpu.memory_space<vmem>>, vector<16xf32>,
        %get3A_109 = arith.index_cast %mul3A_99 : i32 to index
        %get3A_110 = tpu.vector_load %arg15[%get3A_109] {strides = array<i32>} : memref<2000xf32, #tpu.memory_space<vmem>>, vector<16xf32>,
        %mul3A_111 = arith.mulf %get3A_100, %get3A_106 : vector<16xf32>
        %mul3A_112 = arith.mulf %get3A_102, %get3A_108 : vector<16xf32>
        %add3A_113 = arith.addf %mul3A_111, %mul3A_112 : vector<16xf32>
        %mul3A_114 = arith.mulf %get3A_104, %get3A_110 : vector<16xf32>
        %add3A_115 = arith.addf %add3A_113, %mul3A_114 : vector<16xf32>
        %mul3A_116 = arith.mulf %get3A_102, %get3A_110 : vector<16xf32>
        %mul3A_117 = arith.mulf %get3A_104, %get3A_108 : vector<16xf32>
        %sub3A = arith.subf %mul3A_116, %mul3A_117 : vector<16xf32>
        %mul3A_118 = arith.mulf %get3A_104, %get3A_106 : vector<16xf32>
        %mul3A_119 = arith.mulf %get3A_100, %get3A_110 : vector<16xf32>
        %sub3A_120 = arith.subf %mul3A_118, %mul3A_119 : vector<16xf32>
        %mul3A_121 = arith.mulf %get3A_100, %get3A_108 : vector<16xf32>
        %mul3A_122 = arith.mulf %get3A_102, %get3A_106 : vector<16xf32>
        %sub3A_123 = arith.subf %mul3A_121, %mul3A_122 : vector<16xf32>
        %mul3A_124 = arith.mulf %sub3A, %sub3A : vector<16xf32>
        %mul3A_125 = arith.mulf %sub3A_120, %sub3A_120 : vector<16xf32>
        %add3A_126 = arith.addf %mul3A_124, %mul3A_125 : vector<16xf32>
        %mul3A_127 = arith.mulf %sub3A_123, %sub3A_123 : vector<16xf32>
        %add3A_128 = arith.addf %add3A_126, %mul3A_127 : vector<16xf32>
        %bitcast_convert_type3A = tpu.bitcast %add3A_128 : vector<16xf32> -> vector<16xi32>
        %shift_right_logical3A = arith.constant 1 : i32
        %shift_right_logical3A_129 = vector.broadcast %shift_right_logical3A : i32 to vector<16xi32>
        %shift_right_logical3A_130 = arith.shrui %bitcast_convert_type3A, %shift_right_logical3A_129 : vector<16xi32>
        %sub3A_131 = arith.constant 1597463007 : i32
        %sub3A_132 = vector.broadcast %sub3A_131 : i32 to vector<16xi32>
        %sub3A_133 = arith.subi %sub3A_132, %shift_right_logical3A_130 : vector<16xi32>
        %bitcast_convert_type3A_134 = tpu.bitcast %sub3A_133 : vector<16xi32> -> vector<16xf32>
        %mul3A_135 = arith.constant 5.000000e-01 : f32
        %mul3A_136 = vector.broadcast %mul3A_135 : f32 to vector<16xf32>
        %mul3A_137 = arith.mulf %mul3A_136, %add3A_128 : vector<16xf32>
        %mul3A_138 = arith.mulf %mul3A_137, %bitcast_convert_type3A_134 : vector<16xf32>
        %mul3A_139 = arith.mulf %mul3A_138, %bitcast_convert_type3A_134 : vector<16xf32>
        %sub3A_140 = arith.constant 1.500000e+00 : f32
        %sub3A_141 = vector.broadcast %sub3A_140 : f32 to vector<16xf32>
        %sub3A_142 = arith.subf %sub3A_141, %mul3A_139 : vector<16xf32>
        %mul3A_143 = arith.mulf %bitcast_convert_type3A_134, %sub3A_142 : vector<16xf32>
        %mul3A_144 = arith.mulf %mul3A_137, %mul3A_143 : vector<16xf32>
        %mul3A_145 = arith.mulf %mul3A_144, %mul3A_143 : vector<16xf32>
        %sub3A_146 = arith.constant 1.500000e+00 : f32
        %sub3A_147 = vector.broadcast %sub3A_146 : f32 to vector<16xf32>
        %sub3A_148 = arith.subf %sub3A_147, %mul3A_145 : vector<16xf32>
        %mul3A_149 = arith.mulf %mul3A_143, %sub3A_148 : vector<16xf32>
        %mul3A_150 = arith.mulf %mul3A_137, %mul3A_149 : vector<16xf32>
        %mul3A_151 = arith.mulf %mul3A_150, %mul3A_149 : vector<16xf32>
        %sub3A_152 = arith.constant 1.500000e+00 : f32
        %sub3A_153 = vector.broadcast %sub3A_152 : f32 to vector<16xf32>
        %sub3A_154 = arith.subf %sub3A_153, %mul3A_151 : vector<16xf32>
        %mul3A_155 = arith.mulf %mul3A_149, %sub3A_154 : vector<16xf32>
        %mul3A_156 = arith.mulf %add3A_128, %mul3A_155 : vector<16xf32>
        %abs3A = math.absf %add3A_115 : vector<16xf32>
        %add3A_157 = arith.constant 1.000000e-30 : f32
        %add3A_158 = vector.broadcast %add3A_157 : f32 to vector<16xf32>
        %add3A_159 = arith.addf %abs3A, %add3A_158 : vector<16xf32>
        %div3A = arith.divf %mul3A_156, %add3A_159 : vector<16xf32>
        %gt3A = arith.constant 1.000000e+00 : f32
        %gt3A_160 = vector.broadcast %gt3A : f32 to vector<16xf32>
        %gt3A_161 = arith.cmpf ogt, %div3A, %gt3A_160 : vector<16xf32>
        %div3A_162 = arith.constant 1.000000e+00 : f32
        %div3A_163 = vector.broadcast %div3A_162 : f32 to vector<16xf32>
        %div3A_164 = arith.divf %div3A_163, %div3A : vector<16xf32>
        %select_n3A = arith.select %gt3A_161, %div3A_164, %div3A : vector<16xi1>, vector<16xf32>
        %mul3A_165 = arith.mulf %select_n3A, %select_n3A : vector<16xf32>
        %mul3A_166 = arith.constant -1.172120e-02 : f32
        %mul3A_167 = vector.broadcast %mul3A_166 : f32 to vector<16xf32>
        %mul3A_168 = arith.mulf %mul3A_167, %mul3A_165 : vector<16xf32>
        %add3A_169 = arith.constant 0.0526533201 : f32
        %add3A_170 = vector.broadcast %add3A_169 : f32 to vector<16xf32>
        %add3A_171 = arith.addf %mul3A_168, %add3A_170 : vector<16xf32>
        %mul3A_172 = arith.mulf %add3A_171, %mul3A_165 : vector<16xf32>
        %add3A_173 = arith.constant -0.116432868 : f32
        %add3A_174 = vector.broadcast %add3A_173 : f32 to vector<16xf32>
        %add3A_175 = arith.addf %mul3A_172, %add3A_174 : vector<16xf32>
        %mul3A_176 = arith.mulf %add3A_175, %mul3A_165 : vector<16xf32>
        %add3A_177 = arith.constant 0.193543464 : f32
        %add3A_178 = vector.broadcast %add3A_177 : f32 to vector<16xf32>
        %add3A_179 = arith.addf %mul3A_176, %add3A_178 : vector<16xf32>
        %mul3A_180 = arith.mulf %add3A_179, %mul3A_165 : vector<16xf32>
        %add3A_181 = arith.constant -0.332623482 : f32
        %add3A_182 = vector.broadcast %add3A_181 : f32 to vector<16xf32>
        %add3A_183 = arith.addf %mul3A_180, %add3A_182 : vector<16xf32>
        %mul3A_184 = arith.mulf %add3A_183, %mul3A_165 : vector<16xf32>
        %add3A_185 = arith.constant 0.999977231 : f32
        %add3A_186 = vector.broadcast %add3A_185 : f32 to vector<16xf32>
        %add3A_187 = arith.addf %mul3A_184, %add3A_186 : vector<16xf32>
        %mul3A_188 = arith.mulf %select_n3A, %add3A_187 : vector<16xf32>
        %sub3A_189 = arith.constant 1.57079637 : f32
        %sub3A_190 = vector.broadcast %sub3A_189 : f32 to vector<16xf32>
        %sub3A_191 = arith.subf %sub3A_190, %mul3A_188 : vector<16xf32>
        %select_n3A_192 = arith.select %gt3A_161, %sub3A_191, %mul3A_188 : vector<16xi1>, vector<16xf32>
        %lt3A_193 = arith.constant 0.000000e+00 : f32
        %lt3A_194 = vector.broadcast %lt3A_193 : f32 to vector<16xf32>
        %lt3A_195 = arith.cmpf olt, %add3A_115, %lt3A_194 : vector<16xf32>
        %sub3A_196 = arith.constant 3.14159274 : f32
        %sub3A_197 = vector.broadcast %sub3A_196 : f32 to vector<16xf32>
        %sub3A_198 = arith.subf %sub3A_197, %select_n3A_192 : vector<16xf32>
        %select_n3A_199 = arith.select %lt3A_195, %sub3A_198, %select_n3A_192 : vector<16xi1>, vector<16xf32>
        %swap3A = arith.index_cast %mul3A_99 : i32 to index
        %swap3A_200 = tpu.vector_load %arg16[%swap3A] {strides = array<i32>} : memref<2000xf32, #tpu.memory_space<vmem>>, vector<16xf32>,
        tpu.vector_store %arg16[%swap3A], %select_n3A_199 {strides = array<i32>} : memref<2000xf32, #tpu.memory_space<vmem>>, vector<16xf32>,
      }
      %scan3A_55 = arith.constant 125 : i32
      %dma_start3A_56 = tpu.memref_slice %arg7[%add3A_45] : memref<3200000xf32, #tpu.memory_space<hbm>> -> memref<2000xf32, #tpu.memory_space<hbm>>
      %dma_start3A_57 = tpu.memref_slice %arg7[%add3A_45] : memref<3200000xf32, #tpu.memory_space<hbm>> -> memref<2000xf32, #tpu.memory_space<hbm>>
      tpu.enqueue_dma source(%arg16 : memref<2000xf32, #tpu.memory_space<vmem>>) target(%dma_start3A_57 : memref<2000xf32, #tpu.memory_space<hbm>>) target_semaphore(%arg18 : memref<!tpu.dma_semaphore, #tpu.memory_space<semaphore_mem>>)
      %mul3A_58 = arith.constant 2 : i32
      %mul3A_59 = arith.muli %scan3A_22, %mul3A_58 : i32
      %add3A_60 = arith.constant 1 : i32
      %add3A_61 = arith.addi %mul3A_59, %add3A_60 : i32
      %add3A_62 = arith.constant 1 : i32
      %add3A_63 = arith.addi %add3A_61, %add3A_62 : i32
      %lt3A_64 = arith.constant 50 : i32
      %lt3A_65 = arith.cmpi slt, %add3A_63, %lt3A_64 : i32
      %convert_element_type3A_66 = arith.extui %lt3A_65 : i1 to i32
      %cond3A_67 = arith.constant 0 : i32
      %cond3A_68 = arith.cmpi ne, %convert_element_type3A_66, %cond3A_67 : i32
      scf.if %cond3A_68 {
        %add3A_97 = arith.constant 1 : i32
        %add3A_98 = arith.addi %add3A_61, %add3A_97 : i32
        %mul3A_99 = arith.constant 2000 : i32
        %mul3A_100 = arith.muli %add3A_98, %mul3A_99 : i32
        %add3A_101 = arith.addi %mul3A_2, %mul3A_100 : i32
        "tpu.region"() ({
          %run_scoped3A = tpu.sem_alloc : memref<!tpu.dma_semaphore, #tpu.memory_space<semaphore_mem>>
          %dma_start3A_114 = tpu.memref_slice %arg5[%add3A_101] : memref<3200000xi32, #tpu.memory_space<hbm>> -> memref<2000xi32, #tpu.memory_space<hbm>>
          %dma_start3A_115 = tpu.memref_slice %arg5[%add3A_101] : memref<3200000xi32, #tpu.memory_space<hbm>> -> memref<2000xi32, #tpu.memory_space<hbm>>
          tpu.enqueue_dma source(%dma_start3A_115 : memref<2000xi32, #tpu.memory_space<hbm>>) target(%arg8 : memref<2000xi32, #tpu.memory_space<vmem>>) target_semaphore(%run_scoped3A : memref<!tpu.dma_semaphore, #tpu.memory_space<semaphore_mem>>)
          %dma_wait3A_116 = tpu.memref_slice %arg5[%add3A_101] : memref<3200000xi32, #tpu.memory_space<hbm>> -> memref<2000xi32, #tpu.memory_space<hbm>>
          %dma_wait3A_117 = tpu.memref_slice %arg5[%add3A_101] : memref<3200000xi32, #tpu.memory_space<hbm>> -> memref<2000xi32, #tpu.memory_space<hbm>>
          tpu.wait_dma2 semaphore(%run_scoped3A : memref<!tpu.dma_semaphore, #tpu.memory_space<semaphore_mem>>) src(%dma_wait3A_117 : memref<2000xi32, #tpu.memory_space<hbm>>) dst(%arg8 : memref<2000xi32, #tpu.memory_space<vmem>>)
          tpu.yield
        }) : () -> ()
        "tpu.region"() ({
          %run_scoped3A = tpu.sem_alloc : memref<!tpu.dma_semaphore, #tpu.memory_space<semaphore_mem>>
          %dma_start3A_114 = tpu.memref_slice %arg6[%add3A_101] : memref<3200000xi32, #tpu.memory_space<hbm>> -> memref<2000xi32, #tpu.memory_space<hbm>>
          %dma_start3A_115 = tpu.memref_slice %arg6[%add3A_101] : memref<3200000xi32, #tpu.memory_space<hbm>> -> memref<2000xi32, #tpu.memory_space<hbm>>
          tpu.enqueue_dma source(%dma_start3A_115 : memref<2000xi32, #tpu.memory_space<hbm>>) target(%arg9 : memref<2000xi32, #tpu.memory_space<vmem>>) target_semaphore(%run_scoped3A : memref<!tpu.dma_semaphore, #tpu.memory_space<semaphore_mem>>)
          %dma_wait3A_116 = tpu.memref_slice %arg6[%add3A_101] : memref<3200000xi32, #tpu.memory_space<hbm>> -> memref<2000xi32, #tpu.memory_space<hbm>>
          %dma_wait3A_117 = tpu.memref_slice %arg6[%add3A_101] : memref<3200000xi32, #tpu.memory_space<hbm>> -> memref<2000xi32, #tpu.memory_space<hbm>>
          tpu.wait_dma2 semaphore(%run_scoped3A : memref<!tpu.dma_semaphore, #tpu.memory_space<semaphore_mem>>) src(%dma_wait3A_117 : memref<2000xi32, #tpu.memory_space<hbm>>) dst(%arg9 : memref<2000xi32, #tpu.memory_space<vmem>>)
          tpu.yield
        }) : () -> ()
        %dma_start3A_102 = arith.constant 0 : i32
        %dma_start3A_103 = tpu.memref_slice %arg2[%dma_start3A_102] : memref<1600000xf32, #tpu.memory_space<hbm>> -> memref<1600000xf32, #tpu.memory_space<hbm>>
        tpu.enqueue_indirect_dma source(%dma_start3A_103 : memref<1600000xf32, #tpu.memory_space<hbm>>) target(%arg10 : memref<2000xf32, #tpu.memory_space<vmem>>) offsets(%arg8 : memref<2000xi32, #tpu.memory_space<vmem>>) semaphore(%arg17 : memref<!tpu.dma_semaphore, #tpu.memory_space<semaphore_mem>>)
        %dma_start3A_104 = arith.constant 0 : i32
        %dma_start3A_105 = tpu.memref_slice %arg3[%dma_start3A_104] : memref<1600000xf32, #tpu.memory_space<hbm>> -> memref<1600000xf32, #tpu.memory_space<hbm>>
        tpu.enqueue_indirect_dma source(%dma_start3A_105 : memref<1600000xf32, #tpu.memory_space<hbm>>) target(%arg11 : memref<2000xf32, #tpu.memory_space<vmem>>) offsets(%arg8 : memref<2000xi32, #tpu.memory_space<vmem>>) semaphore(%arg17 : memref<!tpu.dma_semaphore, #tpu.memory_space<semaphore_mem>>)
        %dma_start3A_106 = arith.constant 0 : i32
        %dma_start3A_107 = tpu.memref_slice %arg4[%dma_start3A_106] : memref<1600000xf32, #tpu.memory_space<hbm>> -> memref<1600000xf32, #tpu.memory_space<hbm>>
        tpu.enqueue_indirect_dma source(%dma_start3A_107 : memref<1600000xf32, #tpu.memory_space<hbm>>) target(%arg12 : memref<2000xf32, #tpu.memory_space<vmem>>) offsets(%arg8 : memref<2000xi32, #tpu.memory_space<vmem>>) semaphore(%arg17 : memref<!tpu.dma_semaphore, #tpu.memory_space<semaphore_mem>>)
        %dma_start3A_108 = arith.constant 0 : i32
        %dma_start3A_109 = tpu.memref_slice %arg2[%dma_start3A_108] : memref<1600000xf32, #tpu.memory_space<hbm>> -> memref<1600000xf32, #tpu.memory_space<hbm>>
        tpu.enqueue_indirect_dma source(%dma_start3A_109 : memref<1600000xf32, #tpu.memory_space<hbm>>) target(%arg13 : memref<2000xf32, #tpu.memory_space<vmem>>) offsets(%arg9 : memref<2000xi32, #tpu.memory_space<vmem>>) semaphore(%arg17 : memref<!tpu.dma_semaphore, #tpu.memory_space<semaphore_mem>>)
        %dma_start3A_110 = arith.constant 0 : i32
        %dma_start3A_111 = tpu.memref_slice %arg3[%dma_start3A_110] : memref<1600000xf32, #tpu.memory_space<hbm>> -> memref<1600000xf32, #tpu.memory_space<hbm>>
        tpu.enqueue_indirect_dma source(%dma_start3A_111 : memref<1600000xf32, #tpu.memory_space<hbm>>) target(%arg14 : memref<2000xf32, #tpu.memory_space<vmem>>) offsets(%arg9 : memref<2000xi32, #tpu.memory_space<vmem>>) semaphore(%arg17 : memref<!tpu.dma_semaphore, #tpu.memory_space<semaphore_mem>>)
        %dma_start3A_112 = arith.constant 0 : i32
        %dma_start3A_113 = tpu.memref_slice %arg4[%dma_start3A_112] : memref<1600000xf32, #tpu.memory_space<hbm>> -> memref<1600000xf32, #tpu.memory_space<hbm>>
        tpu.enqueue_indirect_dma source(%dma_start3A_113 : memref<1600000xf32, #tpu.memory_space<hbm>>) target(%arg15 : memref<2000xf32, #tpu.memory_space<vmem>>) offsets(%arg9 : memref<2000xi32, #tpu.memory_space<vmem>>) semaphore(%arg17 : memref<!tpu.dma_semaphore, #tpu.memory_space<semaphore_mem>>)
      } else {
      }
      %dma_wait3A_69 = arith.constant 0 : i32
      %dma_wait3A_70 = tpu.memref_slice %arg2[%dma_wait3A_69] : memref<1600000xf32, #tpu.memory_space<hbm>> -> memref<1600000xf32, #tpu.memory_space<hbm>>
      tpu.wait_indirect_dma semaphore(%arg28 : memref<!tpu.dma_semaphore, #tpu.memory_space<semaphore_mem>>) src(%dma_wait3A_70 : memref<1600000xf32, #tpu.memory_space<hbm>>) dst(%arg21 : memref<2000xf32, #tpu.memory_space<vmem>>)
      %dma_wait3A_71 = arith.constant 0 : i32
      %dma_wait3A_72 = tpu.memref_slice %arg2[%dma_wait3A_71] : memref<1600000xf32, #tpu.memory_space<hbm>> -> memref<1600000xf32, #tpu.memory_space<hbm>>
      tpu.wait_indirect_dma semaphore(%arg28 : memref<!tpu.dma_semaphore, #tpu.memory_space<semaphore_mem>>) src(%dma_wait3A_72 : memref<1600000xf32, #tpu.memory_space<hbm>>) dst(%arg22 : memref<2000xf32, #tpu.memory_space<vmem>>)
      %dma_wait3A_73 = arith.constant 0 : i32
      %dma_wait3A_74 = tpu.memref_slice %arg2[%dma_wait3A_73] : memref<1600000xf32, #tpu.memory_space<hbm>> -> memref<1600000xf32, #tpu.memory_space<hbm>>
      tpu.wait_indirect_dma semaphore(%arg28 : memref<!tpu.dma_semaphore, #tpu.memory_space<semaphore_mem>>) src(%dma_wait3A_74 : memref<1600000xf32, #tpu.memory_space<hbm>>) dst(%arg23 : memref<2000xf32, #tpu.memory_space<vmem>>)
      %dma_wait3A_75 = arith.constant 0 : i32
      %dma_wait3A_76 = tpu.memref_slice %arg2[%dma_wait3A_75] : memref<1600000xf32, #tpu.memory_space<hbm>> -> memref<1600000xf32, #tpu.memory_space<hbm>>
      tpu.wait_indirect_dma semaphore(%arg28 : memref<!tpu.dma_semaphore, #tpu.memory_space<semaphore_mem>>) src(%dma_wait3A_76 : memref<1600000xf32, #tpu.memory_space<hbm>>) dst(%arg24 : memref<2000xf32, #tpu.memory_space<vmem>>)
      %dma_wait3A_77 = arith.constant 0 : i32
      %dma_wait3A_78 = tpu.memref_slice %arg2[%dma_wait3A_77] : memref<1600000xf32, #tpu.memory_space<hbm>> -> memref<1600000xf32, #tpu.memory_space<hbm>>
      tpu.wait_indirect_dma semaphore(%arg28 : memref<!tpu.dma_semaphore, #tpu.memory_space<semaphore_mem>>) src(%dma_wait3A_78 : memref<1600000xf32, #tpu.memory_space<hbm>>) dst(%arg25 : memref<2000xf32, #tpu.memory_space<vmem>>)
      %dma_wait3A_79 = arith.constant 0 : i32
      %dma_wait3A_80 = tpu.memref_slice %arg2[%dma_wait3A_79] : memref<1600000xf32, #tpu.memory_space<hbm>> -> memref<1600000xf32, #tpu.memory_space<hbm>>
      tpu.wait_indirect_dma semaphore(%arg28 : memref<!tpu.dma_semaphore, #tpu.memory_space<semaphore_mem>>) src(%dma_wait3A_80 : memref<1600000xf32, #tpu.memory_space<hbm>>) dst(%arg26 : memref<2000xf32, #tpu.memory_space<vmem>>)
      %mul3A_81 = arith.constant 2000 : i32
      %mul3A_82 = arith.muli %add3A_61, %mul3A_81 : i32
      %add3A_83 = arith.addi %mul3A_2, %mul3A_82 : i32
      %ge3A_84 = arith.constant 2 : i32
      %ge3A_85 = arith.cmpi sge, %add3A_61, %ge3A_84 : i32
      %convert_element_type3A_86 = arith.extui %ge3A_85 : i1 to i32
      %cond3A_87 = arith.constant 0 : i32
      %cond3A_88 = arith.cmpi ne, %convert_element_type3A_86, %cond3A_87 : i32
      scf.if %cond3A_88 {
        %dma_wait3A_97 = tpu.memref_slice %arg7[%add3A_83] : memref<3200000xf32, #tpu.memory_space<hbm>> -> memref<2000xf32, #tpu.memory_space<hbm>>
        %dma_wait3A_98 = tpu.memref_slice %arg7[%add3A_83] : memref<3200000xf32, #tpu.memory_space<hbm>> -> memref<2000xf32, #tpu.memory_space<hbm>>
        tpu.wait_dma2 semaphore(%arg29 : memref<!tpu.dma_semaphore, #tpu.memory_space<semaphore_mem>>) src(%arg27 : memref<2000xf32, #tpu.memory_space<vmem>>) dst(%dma_wait3A_98 : memref<2000xf32, #tpu.memory_space<hbm>>)
      } else {
      }
      %scan3A_89 = arith.constant 0 : i32
      %scan3A_90 = arith.constant 0 : i32
      %scan3A_91 = arith.constant 125 : i32
      %scan3A_92 = arith.addi %scan3A_90, %scan3A_91 : i32
      %scan3A_93 = arith.constant 1 : i32
      scf.for %scan3A_97 = %scan3A_90 to %scan3A_92 step %scan3A_93  : i32 {
        %mul3A_98 = arith.constant 16 : i32
        %mul3A_99 = arith.muli %scan3A_97, %mul3A_98 : i32
        %get3A = arith.index_cast %mul3A_99 : i32 to index
        %get3A_100 = tpu.vector_load %arg21[%get3A] {strides = array<i32>} : memref<2000xf32, #tpu.memory_space<vmem>>, vector<16xf32>,
        %get3A_101 = arith.index_cast %mul3A_99 : i32 to index
        %get3A_102 = tpu.vector_load %arg22[%get3A_101] {strides = array<i32>} : memref<2000xf32, #tpu.memory_space<vmem>>, vector<16xf32>,
        %get3A_103 = arith.index_cast %mul3A_99 : i32 to index
        %get3A_104 = tpu.vector_load %arg23[%get3A_103] {strides = array<i32>} : memref<2000xf32, #tpu.memory_space<vmem>>, vector<16xf32>,
        %get3A_105 = arith.index_cast %mul3A_99 : i32 to index
        %get3A_106 = tpu.vector_load %arg24[%get3A_105] {strides = array<i32>} : memref<2000xf32, #tpu.memory_space<vmem>>, vector<16xf32>,
        %get3A_107 = arith.index_cast %mul3A_99 : i32 to index
        %get3A_108 = tpu.vector_load %arg25[%get3A_107] {strides = array<i32>} : memref<2000xf32, #tpu.memory_space<vmem>>, vector<16xf32>,
        %get3A_109 = arith.index_cast %mul3A_99 : i32 to index
        %get3A_110 = tpu.vector_load %arg26[%get3A_109] {strides = array<i32>} : memref<2000xf32, #tpu.memory_space<vmem>>, vector<16xf32>,
        %mul3A_111 = arith.mulf %get3A_100, %get3A_106 : vector<16xf32>
        %mul3A_112 = arith.mulf %get3A_102, %get3A_108 : vector<16xf32>
        %add3A_113 = arith.addf %mul3A_111, %mul3A_112 : vector<16xf32>
        %mul3A_114 = arith.mulf %get3A_104, %get3A_110 : vector<16xf32>
        %add3A_115 = arith.addf %add3A_113, %mul3A_114 : vector<16xf32>
        %mul3A_116 = arith.mulf %get3A_102, %get3A_110 : vector<16xf32>
        %mul3A_117 = arith.mulf %get3A_104, %get3A_108 : vector<16xf32>
        %sub3A = arith.subf %mul3A_116, %mul3A_117 : vector<16xf32>
        %mul3A_118 = arith.mulf %get3A_104, %get3A_106 : vector<16xf32>
        %mul3A_119 = arith.mulf %get3A_100, %get3A_110 : vector<16xf32>
        %sub3A_120 = arith.subf %mul3A_118, %mul3A_119 : vector<16xf32>
        %mul3A_121 = arith.mulf %get3A_100, %get3A_108 : vector<16xf32>
        %mul3A_122 = arith.mulf %get3A_102, %get3A_106 : vector<16xf32>
        %sub3A_123 = arith.subf %mul3A_121, %mul3A_122 : vector<16xf32>
        %mul3A_124 = arith.mulf %sub3A, %sub3A : vector<16xf32>
        %mul3A_125 = arith.mulf %sub3A_120, %sub3A_120 : vector<16xf32>
        %add3A_126 = arith.addf %mul3A_124, %mul3A_125 : vector<16xf32>
        %mul3A_127 = arith.mulf %sub3A_123, %sub3A_123 : vector<16xf32>
        %add3A_128 = arith.addf %add3A_126, %mul3A_127 : vector<16xf32>
        %bitcast_convert_type3A = tpu.bitcast %add3A_128 : vector<16xf32> -> vector<16xi32>
        %shift_right_logical3A = arith.constant 1 : i32
        %shift_right_logical3A_129 = vector.broadcast %shift_right_logical3A : i32 to vector<16xi32>
        %shift_right_logical3A_130 = arith.shrui %bitcast_convert_type3A, %shift_right_logical3A_129 : vector<16xi32>
        %sub3A_131 = arith.constant 1597463007 : i32
        %sub3A_132 = vector.broadcast %sub3A_131 : i32 to vector<16xi32>
        %sub3A_133 = arith.subi %sub3A_132, %shift_right_logical3A_130 : vector<16xi32>
        %bitcast_convert_type3A_134 = tpu.bitcast %sub3A_133 : vector<16xi32> -> vector<16xf32>
        %mul3A_135 = arith.constant 5.000000e-01 : f32
        %mul3A_136 = vector.broadcast %mul3A_135 : f32 to vector<16xf32>
        %mul3A_137 = arith.mulf %mul3A_136, %add3A_128 : vector<16xf32>
        %mul3A_138 = arith.mulf %mul3A_137, %bitcast_convert_type3A_134 : vector<16xf32>
        %mul3A_139 = arith.mulf %mul3A_138, %bitcast_convert_type3A_134 : vector<16xf32>
        %sub3A_140 = arith.constant 1.500000e+00 : f32
        %sub3A_141 = vector.broadcast %sub3A_140 : f32 to vector<16xf32>
        %sub3A_142 = arith.subf %sub3A_141, %mul3A_139 : vector<16xf32>
        %mul3A_143 = arith.mulf %bitcast_convert_type3A_134, %sub3A_142 : vector<16xf32>
        %mul3A_144 = arith.mulf %mul3A_137, %mul3A_143 : vector<16xf32>
        %mul3A_145 = arith.mulf %mul3A_144, %mul3A_143 : vector<16xf32>
        %sub3A_146 = arith.constant 1.500000e+00 : f32
        %sub3A_147 = vector.broadcast %sub3A_146 : f32 to vector<16xf32>
        %sub3A_148 = arith.subf %sub3A_147, %mul3A_145 : vector<16xf32>
        %mul3A_149 = arith.mulf %mul3A_143, %sub3A_148 : vector<16xf32>
        %mul3A_150 = arith.mulf %mul3A_137, %mul3A_149 : vector<16xf32>
        %mul3A_151 = arith.mulf %mul3A_150, %mul3A_149 : vector<16xf32>
        %sub3A_152 = arith.constant 1.500000e+00 : f32
        %sub3A_153 = vector.broadcast %sub3A_152 : f32 to vector<16xf32>
        %sub3A_154 = arith.subf %sub3A_153, %mul3A_151 : vector<16xf32>
        %mul3A_155 = arith.mulf %mul3A_149, %sub3A_154 : vector<16xf32>
        %mul3A_156 = arith.mulf %add3A_128, %mul3A_155 : vector<16xf32>
        %abs3A = math.absf %add3A_115 : vector<16xf32>
        %add3A_157 = arith.constant 1.000000e-30 : f32
        %add3A_158 = vector.broadcast %add3A_157 : f32 to vector<16xf32>
        %add3A_159 = arith.addf %abs3A, %add3A_158 : vector<16xf32>
        %div3A = arith.divf %mul3A_156, %add3A_159 : vector<16xf32>
        %gt3A = arith.constant 1.000000e+00 : f32
        %gt3A_160 = vector.broadcast %gt3A : f32 to vector<16xf32>
        %gt3A_161 = arith.cmpf ogt, %div3A, %gt3A_160 : vector<16xf32>
        %div3A_162 = arith.constant 1.000000e+00 : f32
        %div3A_163 = vector.broadcast %div3A_162 : f32 to vector<16xf32>
        %div3A_164 = arith.divf %div3A_163, %div3A : vector<16xf32>
        %select_n3A = arith.select %gt3A_161, %div3A_164, %div3A : vector<16xi1>, vector<16xf32>
        %mul3A_165 = arith.mulf %select_n3A, %select_n3A : vector<16xf32>
        %mul3A_166 = arith.constant -1.172120e-02 : f32
        %mul3A_167 = vector.broadcast %mul3A_166 : f32 to vector<16xf32>
        %mul3A_168 = arith.mulf %mul3A_167, %mul3A_165 : vector<16xf32>
        %add3A_169 = arith.constant 0.0526533201 : f32
        %add3A_170 = vector.broadcast %add3A_169 : f32 to vector<16xf32>
        %add3A_171 = arith.addf %mul3A_168, %add3A_170 : vector<16xf32>
        %mul3A_172 = arith.mulf %add3A_171, %mul3A_165 : vector<16xf32>
        %add3A_173 = arith.constant -0.116432868 : f32
        %add3A_174 = vector.broadcast %add3A_173 : f32 to vector<16xf32>
        %add3A_175 = arith.addf %mul3A_172, %add3A_174 : vector<16xf32>
        %mul3A_176 = arith.mulf %add3A_175, %mul3A_165 : vector<16xf32>
        %add3A_177 = arith.constant 0.193543464 : f32
        %add3A_178 = vector.broadcast %add3A_177 : f32 to vector<16xf32>
        %add3A_179 = arith.addf %mul3A_176, %add3A_178 : vector<16xf32>
        %mul3A_180 = arith.mulf %add3A_179, %mul3A_165 : vector<16xf32>
        %add3A_181 = arith.constant -0.332623482 : f32
        %add3A_182 = vector.broadcast %add3A_181 : f32 to vector<16xf32>
        %add3A_183 = arith.addf %mul3A_180, %add3A_182 : vector<16xf32>
        %mul3A_184 = arith.mulf %add3A_183, %mul3A_165 : vector<16xf32>
        %add3A_185 = arith.constant 0.999977231 : f32
        %add3A_186 = vector.broadcast %add3A_185 : f32 to vector<16xf32>
        %add3A_187 = arith.addf %mul3A_184, %add3A_186 : vector<16xf32>
        %mul3A_188 = arith.mulf %select_n3A, %add3A_187 : vector<16xf32>
        %sub3A_189 = arith.constant 1.57079637 : f32
        %sub3A_190 = vector.broadcast %sub3A_189 : f32 to vector<16xf32>
        %sub3A_191 = arith.subf %sub3A_190, %mul3A_188 : vector<16xf32>
        %select_n3A_192 = arith.select %gt3A_161, %sub3A_191, %mul3A_188 : vector<16xi1>, vector<16xf32>
        %lt3A_193 = arith.constant 0.000000e+00 : f32
        %lt3A_194 = vector.broadcast %lt3A_193 : f32 to vector<16xf32>
        %lt3A_195 = arith.cmpf olt, %add3A_115, %lt3A_194 : vector<16xf32>
        %sub3A_196 = arith.constant 3.14159274 : f32
        %sub3A_197 = vector.broadcast %sub3A_196 : f32 to vector<16xf32>
        %sub3A_198 = arith.subf %sub3A_197, %select_n3A_192 : vector<16xf32>
        %select_n3A_199 = arith.select %lt3A_195, %sub3A_198, %select_n3A_192 : vector<16xi1>, vector<16xf32>
        %swap3A = arith.index_cast %mul3A_99 : i32 to index
        %swap3A_200 = tpu.vector_load %arg27[%swap3A] {strides = array<i32>} : memref<2000xf32, #tpu.memory_space<vmem>>, vector<16xf32>,
        tpu.vector_store %arg27[%swap3A], %select_n3A_199 {strides = array<i32>} : memref<2000xf32, #tpu.memory_space<vmem>>, vector<16xf32>,
      }
      %scan3A_94 = arith.constant 125 : i32
      %dma_start3A_95 = tpu.memref_slice %arg7[%add3A_83] : memref<3200000xf32, #tpu.memory_space<hbm>> -> memref<2000xf32, #tpu.memory_space<hbm>>
      %dma_start3A_96 = tpu.memref_slice %arg7[%add3A_83] : memref<3200000xf32, #tpu.memory_space<hbm>> -> memref<2000xf32, #tpu.memory_space<hbm>>
      tpu.enqueue_dma source(%arg27 : memref<2000xf32, #tpu.memory_space<vmem>>) target(%dma_start3A_96 : memref<2000xf32, #tpu.memory_space<hbm>>) target_semaphore(%arg29 : memref<!tpu.dma_semaphore, #tpu.memory_space<semaphore_mem>>)
    }
    %scan3A_18 = arith.constant 25 : i32
    %dma_wait3A = tpu.memref_slice %arg7[%mul3A_2] : memref<3200000xf32, #tpu.memory_space<hbm>> -> memref<2000xf32, #tpu.memory_space<hbm>>
    %dma_wait3A_19 = tpu.memref_slice %arg7[%mul3A_2] : memref<3200000xf32, #tpu.memory_space<hbm>> -> memref<2000xf32, #tpu.memory_space<hbm>>
    tpu.wait_dma2 semaphore(%arg18 : memref<!tpu.dma_semaphore, #tpu.memory_space<semaphore_mem>>) src(%arg16 : memref<2000xf32, #tpu.memory_space<vmem>>) dst(%dma_wait3A_19 : memref<2000xf32, #tpu.memory_space<hbm>>)
    %dma_wait3A_20 = tpu.memref_slice %arg7[%mul3A_2] : memref<3200000xf32, #tpu.memory_space<hbm>> -> memref<2000xf32, #tpu.memory_space<hbm>>
    %dma_wait3A_21 = tpu.memref_slice %arg7[%mul3A_2] : memref<3200000xf32, #tpu.memory_space<hbm>> -> memref<2000xf32, #tpu.memory_space<hbm>>
    tpu.wait_dma2 semaphore(%arg29 : memref<!tpu.dma_semaphore, #tpu.memory_space<semaphore_mem>>) src(%arg27 : memref<2000xf32, #tpu.memory_space<vmem>>) dst(%dma_wait3A_21 : memref<2000xf32, #tpu.memory_space<hbm>>)
    return
  }
}

</mosaic_0001>

<sc_bundles>
// kernel: kernel.3.cloned.1.call-start
scs
__scs_entry_jumppad:
0x0: {  	(pc) =	sbr.rel $0x88, $3  }
0x1: {  	(tag) =	ssettag $0x0;
	lr =	simm.s32 $0x1  }
0x2: {  	[smem:$0x3F9F] =	sst lr;
	_ =	strace $0xD0000000  }
0x3: {  	_ = 	snop  }
0x4: {  	_ = 	snop  }
0x5: {  	_ = 	snop  }
0x6: {  	_ = 	snop  }
0x7: {  	_ = 	snop  }
__scs_overlays_trampoline_lowered:
0x8: {  	[smem:$0x3FAE] =	sst s0  }
0x9: {  	[smem:$0x3FAF] =	sst s1  }
0xa: {  	[smem:$0x3FB0] =	sst s2  }
0xb: {  	[smem:$0x3FB1] =	sst s3  }
0xc: {  	[smem:$0x3FB2] =	sst s4  }
0xd: {  	[smem:$0x3FB3] =	sst s5  }
0xe: {  	[smem:$0x3FB4] =	sst s6  }
0xf: {  	[smem:$0x3FB5] =	sst s7  }
0x10: {  	[smem:$0x3FB6] =	sst s8  }
0x11: {  	[smem:$0x3FB7] =	sst s9;
	s0 =	simm.s32 @!p0 $0x0  }
0x12: {  	s1 =	sld [smem:$0x3F9D];
	s0 =	simm.s32 @p0 $0x1  }
0x13: {  	[smem:$0x3FB8] =	sst s0;
	s0 =	simm.s32 @!p1 $0x0  }
0x14: {  	s2 =	sld [smem:$0x3F9C];
	s0 =	simm.s32 @p1 $0x1  }
0x15: {  	[smem:$0x3FB9] =	sst s0;
	s0 =	simm.s32 @!p2 $0x0  }
0x16: {  	s3 =	sld [smem:$0x3FDB];
	s0 =	simm.s32 @p2 $0x1  }
0x17: {  	s4 =	simm.s32 $0x1BF5;
	[smem:$0x3FBB] =	sst s0  }
0x18: {  	s0 =	sld [smem:$0x3F9E];
	_ =	swait.ge [sflag:s4], $0x0  }
0x19: {  	s7 =	sld [smem:$0x3F9F]  }
0x1a: {  	s8 =	sadd.s32 $0xFFFFE003, lr  }
0x1b: {  	s9 =	sadd.s32 $0xFFFFFEF7, lr;
	s5 =	simm.s32 $0xFFFFFFFF;
	p2 =	slt.u32 s8, $0xFFFFF086  }
0x1c: {  	p1 =	slt.u32 s9, $0xF7A;
	s5 =	simm.s32 @!p2 $0x0  }
0x1d: {  	s5 =	simm.s32 @p1 $0x1;
	p0 =	seq.s32 s7, s2  }
0x1e: {  	s7 =	smul.u32 @!p0 $0xF7A, s2;
	p2 =	seq.s32 @!p0 s5, $0x0  }
0x1f: {  	s9 =	smul.u32 $0xF7A, s1;
	s8 =	simm.s32 @!p0 $0x1BF5;
	p2 =	por !p2, p0  }
0x20: {  	[sflag:s8] =	ssyncset.s32 @!p0 $0xFFFFF086;
	s6 =	sadd.s32 @!p0 s3, s7;
	s7 =	simm.s32 @!p0 $0x108  }
0x21: {  	s3 =	sadd.s32 s3, s9;
	s6 =	sadd.s32 @!p0 $0x88, s6;
	s7 =	simm.s32 @p2 $0x1082  }
0x22: {  	[simem:s7], [sflag:s8] =	dma.local @!p0 [hbm:s6], $0xF7A  }
0x23: {  	s9 =	sor.u32 $0xD0000000, s2;
	s6 =	simm.s32 $0x108;
	_ =	swait.ge @!p0 [sflag:s8], $0x0  }
0x24: {  	s3 =	sadd.s32 $0x88, s3;
	s6 =	simm.s32 @!p1 $0x1082;
	[sflag:s4] =	ssyncset.s32 $0xFFFFF086  }
0x25: {  	[simem:s6], [sflag:s4] =	dma.local [hbm:s3], $0xF7A  }
0x26: {  	[smem:$0x3F9F] =	sst s1;
	(tag) =	ssettag s2;
	_ =	strace s9  }
0x27: {  	s1 =	sld [smem:$0x3FAF]  }
0x28: {  	s2 =	sld [smem:$0x3FB0]  }
0x29: {  	s4 =	sld [smem:$0x3FB2]  }
0x2a: {  	p0 =	seq.s32 s5, $0x0;
	s5 =	sld [smem:$0x3FB3]  }
0x2b: {  	s6 =	sld [smem:$0x3FB4]  }
0x2c: {  	s7 =	sld [smem:$0x3FB5]  }
0x2d: {  	s3 =	simm.s32 $0x108;
	s8 =	sld [smem:$0x3FB6]  }
0x2e: {  	s3 =	simm.s32 @!p0 $0x1082;
	s9 =	sld [smem:$0x3FB7]  }
0x2f: {  	lr =	sadd.s32 s0, s3;
	s0 =	sld [smem:$0x3FAE]  }
0x30: {  	s3 =	sld [smem:$0x3FB1]  }
0x31: {  	[smem:$0x3FBA] =	sst s10  }
0x32: {  	s10 =	sld [smem:$0x3FB8];
	_ =	sdelay $0x3  }
0x33: {  	p0 =	seq.s32 s10, $0x1;
	s10 =	sld [smem:$0x3FBA];
	_ =	sdelay $0x3  }
0x34: {  	[smem:$0x3FBA] =	sst s10  }
0x35: {  	s10 =	sld [smem:$0x3FB9];
	_ =	sdelay $0x3  }
0x36: {  	p1 =	seq.s32 s10, $0x1;
	s10 =	sld [smem:$0x3FBA];
	_ =	sdelay $0x3  }
0x37: {  	[smem:$0x3FBA] =	sst s10  }
0x38: {  	s10 =	sld [smem:$0x3FBB]  }
0x39: {  	_ = 	snop;
	(pc) =	sbr.ind lr, $3  }
0x3a: {  	_ = 	snop  }
0x3b: {  	_ = 	snop  }
0x3c: {  	p2 =	seq.s32 s10, $0x1;
	s10 =	sld [smem:$0x3FBA]  }
0x3d: {  	_ =	shalt  }
0x3e: {  	_ =	shalt  }
0x3f: {  	_ =	shalt  }
0x40: {  	_ =	shalt  }
0x41: {  	_ =	shalt  }
0x42: {  	_ =	shalt  }
0x43: {  	_ =	shalt  }
0x44: {  	_ =	shalt  }
0x45: {  	_ =	shalt  }
0x46: {  	_ =	shalt  }
0x47: {  	_ =	shalt  }
0x48: {  	_ =	shalt  }
0x49: {  	_ =	shalt  }
0x4a: {  	_ =	shalt  }
0x4b: {  	_ =	shalt  }
0x4c: {  	_ =	shalt  }
0x4d: {  	_ =	shalt  }
0x4e: {  	_ =	shalt  }
0x4f: {  	_ =	shalt  }
0x50: {  	_ =	shalt  }
0x51: {  	_ =	shalt  }
0x52: {  	_ =	shalt  }
0x53: {  	_ =	shalt  }
0x54: {  	_ =	shalt  }
0x55: {  	_ =	shalt  }
0x56: {  	_ =	shalt  }
0x57: {  	_ =	shalt  }
0x58: {  	_ =	shalt  }
0x59: {  	_ =	shalt  }
0x5a: {  	_ =	shalt  }
0x5b: {  	_ =	shalt  }
0x5c: {  	_ =	shalt  }
0x5d: {  	_ =	shalt  }
0x5e: {  	_ =	shalt  }
0x5f: {  	_ =	shalt  }
0x60: {  	_ =	shalt  }
0x61: {  	_ =	shalt  }
0x62: {  	_ =	shalt  }
0x63: {  	_ =	shalt  }
0x64: {  	_ =	shalt  }
0x65: {  	_ =	shalt  }
0x66: {  	_ =	shalt  }
0x67: {  	_ =	shalt  }
0x68: {  	_ =	shalt  }
0x69: {  	_ =	shalt  }
0x6a: {  	_ =	shalt  }
0x6b: {  	_ =	shalt  }
0x6c: {  	_ =	shalt  }
0x6d: {  	_ =	shalt  }
0x6e: {  	_ =	shalt  }
0x6f: {  	_ =	shalt  }
0x70: {  	_ =	shalt  }
0x71: {  	_ =	shalt  }
0x72: {  	_ =	shalt  }
0x73: {  	_ =	shalt  }
0x74: {  	_ =	shalt  }
0x75: {  	_ =	shalt  }
0x76: {  	_ =	shalt  }
0x77: {  	_ =	shalt  }
0x78: {  	_ =	shalt  }
0x79: {  	_ =	shalt  }
0x7a: {  	_ =	shalt  }
0x7b: {  	_ =	shalt  }
0x7c: {  	_ =	shalt  }
0x7d: {  	_ =	shalt  }
0x7e: {  	_ =	shalt  }
0x7f: {  	_ =	shalt  }
0x80: {  	_ =	shalt  }
0x81: {  	_ =	shalt  }
0x82: {  	_ =	shalt  }
0x83: {  	_ =	shalt  }
0x84: {  	_ =	shalt  }
0x85: {  	_ =	shalt  }
0x86: {  	_ =	shalt  }
0x87: {  	_ =	shalt  }
.Lfunc_end0:
.L_simem_size_0:
called_computation_lowered:
.L_overlay_start_0:
0x88: {  	s2 =	sld [smem:$0x3FD9]  }
0x89: {  	s3 =	sld [smem:$0x3FFE];
	_ =	sdelay $0x1  }
0x8a: {  	s1 =	srdreg.scid  }
0x8b: {  	s0 =	sand.u32 $0x1, s1  }
0x8c: {  	s17 =	sshll.u32 s0, $0xA;
	s2 =	sadd.s32 s3, s2  }
0x8d: {  	s2 =	sadd.s32 s2, s17  }
0x8e: {  	[smem:$0x3FC6] =	sst s2  }
0x8f: {  	_ = 	snop  }
0x90: {  	s2 =	sld [smem:$0x3FD0];
	(tm) =	ssettm $0x1  }
0x91: {  	s18 =	sld [smem:$0x3FFB];
	_ =	sdelay $0x3  }
0x92: {  	_ =	strace s18  }
0x93: {  	s3 =	sld [smem:$0x3FFC];
	_ =	sdelay $0x3  }
0x94: {  	_ =	strace s3  }
0x95: {  	s3 =	sld [smem:$0x3FFD];
	_ =	sdelay $0x3  }
0x96: {  	_ =	strace s3  }
0x97: {  	_ =	strace $0x8FFFFFFF  }
0x98: {  	s19 =	sld [smem:$0x3FDB];
	_ =	sdelay $0x1  }
0x99: {  	s4 =	simm.s32 $_scs_section_size  }
0x9a: {  	s5 =	simm.s32 $_size__tile_overlayer_lowered;
	s6 =	simm.s32 $_tile_overlayer_lowered  }
0x9b: {  	s22 =	simm.s32 $0x1BFF;
	s21 =	sshll.u32 s6, $0x1;
	s3 =	sadd.s32 s4, s19  }
0x9c: {  	s7 =	simm.s32 $0x0;
	s20 =	sshll.u32 s5, $0x1;
	s5 =	sadd.s32 s21, s3  }
0x9d: {  	[timem:s7], [sflag:s22] =	dma.local [hbm:s5], s20  }
0x9e: {  	_ =	swait.ge [sflag:s22], s20  }
0x9f: {  	s4 =	ssub.s32 $0x0, s20;
	[sflag:s22] =	ssyncset.done $0x0  }
0xa0: {  	[sflag:s22] =	ssyncadd.s32 s4;
	_ =	sdelay $0x1  }
0xa1: {  	s23 =	simm.s32 $0x1B8B  }
0xa2: {  	_ =	swait.ge [sflag:s23], $0x1  }
0xa3: {  	[sflag:s23] =	ssyncset.done $0x0  }
0xa4: {  	s25 =	simm.s32 $0x1B8E;
	s24 =	sld [smem:$0x3FFE];
	[sflag:s23] =	ssyncadd.s32 $0xFFFFFFFF  }
0xa5: {  	s26 =	simm.s32 $execute0_lowered;
	[smem:$0x3FD2] =	sst s25  }
0xa6: {  	s5 =	sshll.u32 s26, $0x1;
	_ =	strace $0x80000046;
	[dreg:$0x1] =	wrdreg $0xFFFFFFFF  }
0xa7: {  	s28 =	simm.s32 $_size_execute0_lowered;
	s3 =	sadd.s32 s3, s5;
	[dreg:$0x0] =	wrdreg $0x0  }
0xa8: {  	s5 =	sshll.u32 s28, $0x1;
	[dreg:$0x2] =	wrdreg s3  }
0xa9: {  	[dreg:$0x3] =	wrdreg s5  }
0xaa: {  	[dreg:$0x4] =	wrdreg $0xC0  }
0xab: {  	_ =	task [dreg:s7], $0x5FFFF  }
0xac: {  	[dreg:$0x1] =	wrdreg $0xFFFFFFFF  }
0xad: {  	[dreg:$0x0] =	wrdreg $0x60  }
0xae: {  	[dreg:$0x2] =	wrdreg s24  }
0xaf: {  	[dreg:$0x3] =	wrdreg s2  }
0xb0: {  	[dreg:$0x4] =	wrdreg $0x9  }
0xb1: {  	_ =	task.clear_ibuf [dreg:s7], $0x5FFFF;
	_ =	strace $0x90000046  }
0xb2: {  	s29 =	simm.s32 $0x9;
	_ =	strace $0x80000048  }
0xb3: {  	_ =	swait.ge [sflag:s29], $0x1  }
0xb4: {  	[sflag:s29] =	ssyncadd.s32 $0xFFFFFFFF  }
0xb5: {  	_ =	strace $0x90000048  }
0xb6: {  	_ =	sfence  }
0xb7: {  	s30 =	sld [smem:$0x0];
	_ =	sdelay $0x2  }
0xb8: {  	s31 =	sshll.u32 s1, $0xD;
	s1 =	sshrl.u32 s1, $0x2  }
0xb9: {  	s3 =	sand.u32 $0x4000, s31;
	s1 =	sadd.s32 s1, s30  }
0xba: {  	s0 =	sor.u32 s3, s0;
	s1 =	sshll.u32 s1, $0x11  }
0xbb: {  	s0 =	sor.u32 s1, s0  }
0xbc: {  	s0 =	sadd.s32 $0x8F2B, s0  }
0xbd: {  	[sflag:s0] =	ssyncadd.remote.s32 $0x1  }
0xbe: {  	_ =	sfence.sel $0xFFFF  }
0xbf: {  	[dreg:$0x0] =	wrdreg $0xFFFFFFFF;
	(pc) =	sbr.abs _section_cstart, $3  }
0xc0: {  	[dreg:$0x1] =	wrdreg $0xFFFFFFFF  }
0xc1: {  	_ =	task.clear_ibuf [dreg:s7], $0x2FFFF;
	_ =	strace $0x9FFFFFFF  }
0xc2: {  	(tm) =	ssettm $0x7FFFFFFF  }
0xc3: {  	_ =	shalt  }
tec
execute0_lowered:
.L_overlay_start_1:
0x0: {  	(tag) =	ssettag $0x1  }
0x1: {  	s2 =	rddreg [dreg:$0x0]  }
0x2: {  	s3 =	rddreg [dreg:$0x1]  }
0x3: {  	s0 =	srdreg.scid;
	s1 =	stileid.u32;
	s4 =	simm.s32 $0x0  }
0x4: {  	s15 =	simm.s32 $0x5;
	s17 =	simm.s32 $0x7D0;
	s24 =	simm.s32 $0x4800  }
0x5: {  	s25 =	simm.s32 $0x5000;
	s31 =	simm.s32 $0x7800;
	s18 =	simm.s32 $0x4000  }
0x6: {  	s19 =	simm.s32 $0x3;
	s20 =	simm.s32 $0x8800;
	s14 =	simm.s32 $0x0  }
0x7: {  	s0 =	sand.u32 $0x1, s0;
	s1 =	sshll.u32 s1, $0x1;
	[smem:$0x7FF] =	sst s4  }
0x8: {  	s5 =	sadd.s32 $0x61C00, s2;
	s1 =	sor.u32 s0, s1;
	s0 =	ssub.s32 $0x2, s0  }
0x9: {  	s7 =	sadd.s32 $0x30E00, s2;
	s6 =	smul.u32 $0x186A0, s1;
	s28 =	sshrl.u32 s0, $0x1  }
0xa: {  	s8 =	sadd.s32 $0xF4600, s2;
	s9 =	sadd.s32 $0x92A00, s2;
	s0 =	ssub.s32 s0, s28  }
0xb: {  	_ =	strace $0x80000047;
	s10 =	sshrl.u32 s6, $0x3;
	s0 =	smax.u32 s0, $0x1  }
0xc: {  	s1 =	simm.s32 $0x1;
	s29 =	sadd.s32 s8, s10;
	[dreg:$0x5] =	wrdreg s0  }
0xd: {  	s12 =	sadd.s32 $0x7D0, s6;
	s30 =	sadd.s32 s9, s10;
	[dreg:$0x3] =	wrdreg s29  }
0xe: {  	s13 =	sadd.s32 $0xFA0, s6;
	s0 =	simm.s32 $0x8000;
	[dreg:$0x4] =	wrdreg s30  }
.LBB2_1:
0xf: {  	[dreg:$0x6] =	wrdreg s14  }
0x10: {  	s10 =	rddreg [dreg:$0x3]  }
0x11: {  	[tilespmem:s4], [sflag:$0x5] =	stream.linear.gather [hbm4b:s10+s4], $0x7D0, $0x38;
	[tilespmem:$0x9000] =	vst v63  }
0x12: {  	_ =	swait.ge [sflag:s15], $0x7D0  }
0x13: {  	[sflag:s15] =	ssyncset.done $0x0  }
0x14: {  	s11 =	simm.s32 $0x800;
	s21 =	rddreg [dreg:$0x4];
	[sflag:s15] =	ssyncadd.s32 $0xFFFFF830  }
0x15: {  	[tilespmem:s11], [sflag:$0x5] =	stream.linear.gather [hbm4b:s21+s4], $0x7D0, $0x38;
	[tilespmem:$0x9000] =	vst v63  }
0x16: {  	_ =	swait.ge [sflag:s15], $0x7D0  }
0x17: {  	[sflag:s15] =	ssyncset.done $0x0  }
0x18: {  	s22 =	simm.s32 $0x1000;
	[sflag:s15] =	ssyncadd.s32 $0xFFFFF830  }
0x19: {  	[tilespmem:s22], [sflag:$0x1] =	stream.indirect.gather [hbm4b:s5+s17], $0x1, s4, s17, $0xb8;
	[tilespmem:$0x9000] =	vst v63  }
0x1a: {  	s23 =	simm.s32 $0x1800  }
0x1b: {  	[tilespmem:s23], [sflag:$0x1] =	stream.indirect.gather [hbm4b:s7+s17], $0x1, s4, s17, $0xb8;
	[tilespmem:$0x9000] =	vst v63  }
0x1c: {  	s26 =	simm.s32 $0x2000  }
0x1d: {  	[tilespmem:s26], [sflag:$0x1] =	stream.indirect.gather [hbm4b:s2+s17], $0x1, s4, s17, $0xb8;
	[tilespmem:$0x9000] =	vst v63  }
0x1e: {  	s28 =	simm.s32 $0x2800  }
0x1f: {  	[tilespmem:s28], [sflag:$0x1] =	stream.indirect.gather [hbm4b:s5+s17], $0x1, s11, s17, $0xb8;
	[tilespmem:$0x9000] =	vst v63  }
0x20: {  	s29 =	simm.s32 $0x3000  }
0x21: {  	[tilespmem:s29], [sflag:$0x1] =	stream.indirect.gather [hbm4b:s7+s17], $0x1, s11, s17, $0xb8;
	[tilespmem:$0x9000] =	vst v63  }
0x22: {  	s30 =	simm.s32 $0x3800;
	s10 =	simm.s32 $0x0  }
0x23: {  	[tilespmem:s30], [sflag:$0x1] =	stream.indirect.gather [hbm4b:s2+s17], $0x1, s11, s17, $0xb8;
	[tilespmem:$0x9000] =	vst v63  }
.LBB2_2:
0x24: {  	s14 =	smul.u32 $0xFA0, s10;
	_ =	sdelay $0x1  }
0x25: {  	s11 =	sadd.s32 s14, s12  }
0x26: {  	s11 =	sshrl.u32 s11, $0x3  }
0x27: {  	s16 =	sadd.s32 s8, s11  }
0x28: {  	[tilespmem:s24], [sflag:$0x5] =	stream.linear.gather [hbm4b:s16+s4], $0x7D0, $0x38;
	[tilespmem:$0x9000] =	vst v63  }
0x29: {  	_ =	swait.ge [sflag:s15], $0x7D0  }
0x2a: {  	[sflag:s15] =	ssyncset.done $0x0  }
0x2b: {  	s21 =	sadd.s32 s9, s11;
	[sflag:s15] =	ssyncadd.s32 $0xFFFFF830  }
0x2c: {  	[tilespmem:s25], [sflag:$0x5] =	stream.linear.gather [hbm4b:s21+s4], $0x7D0, $0x38;
	[tilespmem:$0x9000] =	vst v63  }
0x2d: {  	_ =	swait.ge [sflag:s15], $0x7D0  }
0x2e: {  	[sflag:s15] =	ssyncset.done $0x0  }
0x2f: {  	s22 =	simm.s32 $0x5800;
	[sflag:s15] =	ssyncadd.s32 $0xFFFFF830  }
0x30: {  	[tilespmem:s22], [sflag:$0x3] =	stream.indirect.gather [hbm4b:s5+s17], $0x1, s24, s17, $0xb8;
	[tilespmem:$0x9000] =	vst v63  }
0x31: {  	s23 =	simm.s32 $0x6000  }
0x32: {  	[tilespmem:s23], [sflag:$0x3] =	stream.indirect.gather [hbm4b:s7+s17], $0x1, s24, s17, $0xb8;
	[tilespmem:$0x9000] =	vst v63  }
0x33: {  	s26 =	simm.s32 $0x6800  }
0x34: {  	[tilespmem:s26], [sflag:$0x3] =	stream.indirect.gather [hbm4b:s2+s17], $0x1, s24, s17, $0xb8;
	[tilespmem:$0x9000] =	vst v63  }
0x35: {  	s30 =	simm.s32 $0x7000  }
0x36: {  	[tilespmem:s30], [sflag:$0x3] =	stream.indirect.gather [hbm4b:s5+s17], $0x1, s25, s17, $0xb8;
	[tilespmem:$0x9000] =	vst v63  }
0x37: {  	_ = 	snop  }
0x38: {  	[tilespmem:s31], [sflag:$0x3] =	stream.indirect.gather [hbm4b:s7+s17], $0x1, s25, s17, $0xb8;
	[tilespmem:$0x9000] =	vst v63  }
0x39: {  	_ = 	snop  }
0x3a: {  	[tilespmem:s0], [sflag:$0x3] =	stream.indirect.gather [hbm4b:s2+s17], $0x1, s25, s17, $0xb8;
	[tilespmem:$0x9000] =	vst v63  }
0x3b: {  	_ =	swait.ge [sflag:s1], $0x7D0  }
0x3c: {  	[sflag:s1] =	ssyncset.done $0x0  }
0x3d: {  	[sflag:s1] =	ssyncadd.s32 $0xFFFFF830  }
0x3e: {  	_ =	swait.ge [sflag:s1], $0x7D0  }
0x3f: {  	[sflag:s1] =	ssyncset.done $0x0  }
0x40: {  	[sflag:s1] =	ssyncadd.s32 $0xFFFFF830  }
0x41: {  	_ =	swait.ge [sflag:s1], $0x7D0  }
0x42: {  	[sflag:s1] =	ssyncset.done $0x0  }
0x43: {  	[sflag:s1] =	ssyncadd.s32 $0xFFFFF830  }
0x44: {  	_ =	swait.ge [sflag:s1], $0x7D0  }
0x45: {  	[sflag:s1] =	ssyncset.done $0x0  }
0x46: {  	[sflag:s1] =	ssyncadd.s32 $0xFFFFF830  }
0x47: {  	_ =	swait.ge [sflag:s1], $0x7D0  }
0x48: {  	[sflag:s1] =	ssyncset.done $0x0  }
0x49: {  	[sflag:s1] =	ssyncadd.s32 $0xFFFFF830  }
0x4a: {  	_ =	swait.ge [sflag:s1], $0x7D0  }
0x4b: {  	p0 =	seq.s32 s10, $0x0;
	[sflag:s1] =	ssyncset.done $0x0  }
0x4c: {  	s16 =	simm.s32 @!p0 $0x2;
	[sflag:s1] =	ssyncadd.s32 $0xFFFFF830  }
0x4d: {  	_ =	swait.ge @!p0 [sflag:s16], $0x7D0  }
0x4e: {  	[sflag:s16] =	ssyncset.done @!p0 $0x0  }
0x4f: {  	s21 =	simm.s32 $0x0;
	[sflag:s16] =	ssyncadd.s32 @!p0 $0xFFFFF830  }
0x50: {  	v0 =	vld [tilespmem:s21+$0x2800]  }
0x51: {  	v1 =	vld [tilespmem:s21+$0x3800]  }
0x52: {  	v2 =	vld [tilespmem:s21+$0x3000]  }
0x53: {  	v3 =	vld [tilespmem:s21+$0x1000]  }
0x54: {  	v4 =	vld [tilespmem:s21+$0x2000]  }
0x55: {  	v5 =	vld [tilespmem:s21+$0x1800];
	_ =	sdelay $0x3  }
0x56: {  	v6 =	vmul.f32 v1, v3;
	v7 =	vmul.f32 v2, v4  }
0x57: {  	v8 =	vmul.f32 v1, v5;
	v9 =	vmul.f32 v0, v4  }
0x58: {  	v10 =	vmul.f32 v0, v5  }
0x59: {  	v7 =	vsub.f32 v8, v7;
	v8 =	vmul.f32 v2, v3;
	v6 =	vsub.f32 v9, v6;
	_ =	sdelay $0x1  }
0x5a: {  	v7 =	vmul.f32 v7, v7;
	v8 =	vsub.f32 v8, v10;
	v6 =	vmul.f32 v6, v6;
	_ =	sdelay $0x1  }
0x5b: {  	v8 =	vmul.f32 v8, v8;
	v6 =	vadd.f32 v6, v7  }
0x5c: {  	s22 =	simm.s32 $0x10  }
0x5d: {  	v12 =	vld [tilespmem:s22+$0x2000];
	v6 =	vadd.f32 v6, v8  }
0x5e: {  	v15 =	vld [tilespmem:s22+$0x2800]  }
0x5f: {  	v9 =	vld [tilespmem:s22+$0x1000];
	v10 =	vshrl.u32 v6, $0x1;
	v11 =	vmul.f32 $5.000000000e-01, v6  }
0x60: {  	v7 =	vld [tilespmem:s22+$0x3800];
	v10 =	vsub.s32 $0x5F3759DF, v10  }
0x61: {  	v8 =	vld [tilespmem:s22+$0x3000];
	v14 =	vmul.f32 v10, v11  }
0x62: {  	v13 =	vld [tilespmem:s22+$0x1800]  }
0x63: {  	v14 =	vmul.f32 v10, v14  }
0x64: {  	v0 =	vmul.f32 v0, v3;
	v1 =	vmul.f32 v1, v4  }
0x65: {  	v16 =	vmul.f32 v15, v12;
	v2 =	vmul.f32 v2, v5;
	v4 =	vsub.f32 $1.500000000e+00, v14  }
0x66: {  	v3 =	vmul.f32 v7, v9;
	v5 =	vmul.f32 v8, v12  }
0x67: {  	v14 =	vmul.f32 v7, v13;
	v4 =	vmul.f32 v10, v4  }
0x68: {  	v0 =	vadd.f32 v2, v0;
	v2 =	vmul.f32 v15, v13;
	v3 =	vsub.f32 v16, v3  }
0x69: {  	v5 =	vsub.f32 v14, v5;
	v10 =	vmul.f32 v8, v9;
	v14 =	vmul.f32 v4, v11  }
0x6a: {  	v0 =	vadd.f32 v1, v0;
	v3 =	vmul.f32 v3, v3  }
0x6b: {  	v1 =	vmul.f32 v5, v5;
	v2 =	vsub.f32 v10, v2;
	v5 =	vmul.f32 v14, v4  }
0x6c: {  	v10 =	vand.u32 $0x7FFFFFFF, v0  }
0x6d: {  	s16 =	simm.s32 $0x20;
	v2 =	vmul.f32 v2, v2;
	v1 =	vadd.f32 v3, v1;
	v3 =	vsub.f32 $1.500000000e+00, v5  }
0x6e: {  	v14 =	vld [tilespmem:s16+$0x3000];
	v5 =	vadd.f32 $1.000000000e-30, v10  }
0x6f: {  	v10 =	vld [tilespmem:s16+$0x3800];
	v16 =	vadd.f32 v1, v2;
	v3 =	vmul.f32 v3, v4  }
0x70: {  	v2 =	vld [tilespmem:s16+$0x1000];
	(erf) = vrcp.f32 v5  }
0x71: {  	v4 =	vld [tilespmem:s16+$0x2000];
	v5 =	vshrl.u32 v16, $0x1;
	v1 =	vmul.f32 v3, v11;
	v11 =	vmul.f32 $5.000000000e-01, v16  }
0x72: {  	v9 =	vmul.f32 v15, v9;
	v8 =	vmul.f32 v8, v13;
	v13 =	vld [tilespmem:s16+$0x1800];
	v5 =	vsub.s32 $0x5F3759DF, v5  }
0x73: {  	v15 =	vld [tilespmem:s16+$0x2800];
	v1 =	vmul.f32 v1, v3;
	v17 =	vmul.f32 v5, v11  }
0x74: {  	v7 =	vmul.f32 v7, v12;
	v8 =	vadd.f32 v8, v9  }
0x75: {  	v19 =	vmul.f32 v14, v2;
	v9 =	vsub.f32 $1.500000000e+00, v1;
	v12 =	vmul.f32 v5, v17  }
0x76: {  	s23 =	simm.s32 $0x30;
	v1 =	vadd.f32 v7, v8;
	v7 =	vmul.f32 v10, v2;
	v8 =	vmul.f32 v14, v4  }
0x77: {  	v18 =	vld [tilespmem:s23+$0x3800];
	v17 =	vmul.f32 v10, v13;
	v3 =	vmul.f32 v9, v3;
	v9 =	vsub.f32 $1.500000000e+00, v12  }
0x78: {  	v20 =	vld [tilespmem:s23+$0x3000];
	v2 =	vmul.f32 v15, v2;
	v12 =	vmul.f32 v15, v13  }
0x79: {  	v22 =	vld [tilespmem:s23+$0x1000];
	v21 =	vand.u32 $0x7FFFFFFF, v1;
	v3 =	vmul.f32 v3, v6;
	v5 =	vmul.f32 v5, v9  }
0x7a: {  	v8 =	vsub.f32 v17, v8;
	v17 =	vld [tilespmem:s23+$0x1800];
	v56 =	vpop (erf);
	v9 =	vmul.f32 v15, v4;
	v4 =	vmul.f32 v10, v4  }
0x7b: {  	v6 =	vadd.f32 $1.000000000e-30, v21;
	v15 =	vld [tilespmem:s23+$0x2000];
	v3 =	vmul.f32 v3, v56;
	v57 =	vmul.f32 v5, v11  }
0x7c: {  	v10 =	vsub.f32 v19, v12;
	v12 =	vmul.f32 v14, v13;
	v13 =	vld [tilespmem:s23+$0x2800];
	v8 =	vmul.f32 v8, v8  }
0x7d: {  	v7 =	vsub.f32 v9, v7;
	(erf) = vrcp.f32 v3;
	v9 =	vmul.f32 v57, v5  }
0x7e: {  	v10 =	vmul.f32 v10, v10;
	v2 =	vadd.f32 v12, v2;
	v12 =	vmul.f32 v18, v22  }
0x7f: {  	v14 =	vmul.f32 v18, v17;
	v7 =	vmul.f32 v7, v7;
	v9 =	vsub.f32 $1.500000000e+00, v9  }
0x80: {  	v2 =	vadd.f32 v4, v2;
	vm0 =	vgt.f32 v3, $1.000000000e+00;
	v4 =	vmul.f32 v20, v15  }
0x81: {  	v19 =	vmul.f32 v13, v22;
	v7 =	vadd.f32 v7, v8;
	v9 =	vmul.f32 v9, v5  }
0x82: {  	(erf) = vrcp.f32 v6;
	v8 =	vmul.f32 v13, v17;
	v4 =	vsub.f32 v14, v4  }
0x83: {  	v17 =	vmul.f32 v20, v17;
	v6 =	vadd.f32 v7, v10;
	v5 =	vmul.f32 v9, v11  }
0x84: {  	s26 =	simm.s32 $0x40;
	vm0 =	vmmov vm0;
	v14 =	vmul.f32 v20, v22;
	v7 =	vmul.f32 v18, v15  }
0x85: {  	v23 =	vld [tilespmem:s26+$0x1000];
	v11 =	vshrl.u32 v6, $0x1;
	v18 =	vmul.f32 $5.000000000e-01, v6;
	v5 =	vmul.f32 v5, v9  }
0x86: {  	v20 =	vld [tilespmem:s26+$0x3000];
	v10 =	vmul.f32 v13, v15;
	v13 =	vmul.f32 v4, v4;
	v11 =	vsub.s32 $0x5F3759DF, v11;
	v4 =	vpop (erf)  }
0x87: {  	v15 =	vld [tilespmem:s26+$0x3800];
	v4 =	vsel vm0, v4, v3;
	v3 =	vmul.f32 v11, v18;
	v58 =	vsub.f32 $1.500000000e+00, v5  }
0x88: {  	v17 =	vadd.f32 v17, v19;
	v19 =	vld [tilespmem:s26+$0x1800];
	v5 =	vmul.f32 v4, v4  }
0x89: {  	v10 =	vsub.f32 v10, v12;
	v3 =	vmul.f32 v11, v3;
	v9 =	vmul.f32 v58, v9  }
0x8a: {  	v24 =	vld [tilespmem:s26+$0x2800];
	v59 =	vand.u32 $0x7FFFFFFF, v2;
	v8 =	vsub.f32 v14, v8;
	v14 =	vmul.f32 $-1.172120030e-02, v5  }
0x8b: {  	v12 =	vld [tilespmem:s26+$0x2000];
	v27 =	vmul.f32 v20, v23;
	v60 =	vsub.f32 $1.500000000e+00, v3;
	v9 =	vmul.f32 v9, v16  }
0x8c: {  	v16 =	vmul.f32 v8, v8;
	v8 =	vmul.f32 v10, v10;
	v14 =	vadd.f32 $5.265332010e-02, v14  }
0x8d: {  	v61 =	vmul.f32 v15, v19;
	v10 =	vpop (erf);
	v3 =	vadd.f32 v7, v17;
	v17 =	vmul.f32 v11, v60  }
0x8e: {  	v7 =	vmul.f32 v9, v10;
	v9 =	vadd.f32 v8, v13;
	v8 =	vmul.f32 v14, v5  }
0x8f: {  	v22 =	vadd.f32 $1.000000000e-30, v59;
	v26 =	vmul.f32 v24, v19;
	v14 =	vmul.f32 v17, v18  }
0x90: {  	v10 =	vmul.f32 v15, v23;
	v13 =	vmul.f32 v20, v12;
	v25 =	vadd.f32 $-1.164328680e-01, v8  }
0x91: {  	v11 =	vand.u32 $0x7FFFFFFF, v3;
	(erf) = vrcp.f32 v7;
	v14 =	vmul.f32 v14, v17  }
0x92: {  	v21 =	vsub.f32 v61, v13;
	v13 =	vmul.f32 v24, v23;
	v25 =	vmul.f32 v25, v5  }
0x93: {  	v8 =	vadd.f32 $1.000000000e-30, v11;
	v11 =	vmul.f32 v15, v12;
	v15 =	vsub.f32 $1.500000000e+00, v14  }
0x94: {  	v12 =	vmul.f32 v24, v12;
	(erf) = vrcp.f32 v22;
	v62 =	vadd.f32 $1.935434640e-01, v25  }
0x95: {  	v63 =	vsub.f32 v27, v26;
	v14 =	vmul.f32 v21, v21;
	v15 =	vmul.f32 v15, v17  }
0x96: {  	v17 =	vsub.f32 v12, v10;
	v12 =	vadd.f32 v9, v16;
	v10 =	vmul.f32 v62, v5  }
0x97: {  	vm1 =	vgt.f32 v7, $1.000000000e+00;
	v9 =	vmul.f32 v63, v63;
	v16 =	vmul.f32 v20, v19  }
0x98: {  	s29 =	simm.s32 $0x140;
	s28 =	sadd.s32 s6, s14;
	v18 =	vmul.f32 v15, v18;
	v19 =	vshrl.u32 v12, $0x1;
	v10 =	vadd.f32 $-3.326234820e-01, v10  }
.LBB2_3:
0x99: {  	v19 =	vsub.s32 $0x5F3759DF, v19;
	v20 =	vmul.f32 $5.000000000e-01, v12  }
0x9a: {  	s30 =	sshra.s32 s29, $0x2;
	p1 =	sne.s32 s29, $0x1F00;
	s29 =	sadd.s32 $0x40, s29;
	v18 =	vmul.f32 v18, v15;
	v21 =	vpop (erf);
	vm2 =	vmmov vm0;
	vm0 =	vmmov vm1  }
0x9b: {  	v22 =	vld [tilespmem:s30+$0x2800];
	v13 =	vadd.f32 v16, v13;
	v7 =	vsel vm0, v21, v7;
	v10 =	vmul.f32 v10, v5  }
0x9c: {  	v16 =	vld [tilespmem:s30+$0x3800];
	v21 =	vmul.f32 v19, v20;
	v18 =	vsub.f32 $1.500000000e+00, v18;
	v5 =	vmul.f32 v7, v7  }
0x9d: {  	v25 =	vmul.f32 v17, v17;
	v23 =	vld [tilespmem:s30+$0x3000];
	v11 =	vadd.f32 v11, v13;
	v10 =	vadd.f32 $9.999772310e-01, v10  }
0x9e: {  	v17 =	vld [tilespmem:s30+$0x1000];
	v21 =	vmul.f32 v19, v21;
	v15 =	vmul.f32 v18, v15  }
0x9f: {  	v24 =	vadd.f32 v25, v14;
	v14 =	vmul.f32 $-1.172120030e-02, v5;
	v18 =	vld [tilespmem:s30+$0x2000];
	v13 =	vpop (erf);
	v10 =	vmul.f32 v10, v4  }
0xa0: {  	v26 =	vand.u32 $0x7FFFFFFF, v11;
	v4 =	vmovc v7;
	v25 =	vld [tilespmem:s30+$0x1800];
	v21 =	vsub.f32 $1.500000000e+00, v21;
	v15 =	vmul.f32 v15, v6;
	v6 =	vmovc v12  }
0xa1: {  	vm1 =	vlt.f32 v0, $0.0e+00;
	v0 =	vmovc v1;
	v1 =	vmovc v2;
	v12 =	vadd.f32 $5.265332010e-02, v14;
	v14 =	vsub.f32 $1.570796370e+00, v10  }
0xa2: {  	v2 =	vmovc v3;
	v3 =	vmovc v11;
	v26 =	vadd.f32 $1.000000000e-30, v26;
	v19 =	vmul.f32 v19, v21;
	v7 =	vmul.f32 v15, v13  }
0xa3: {  	v11 =	vmul.f32 v12, v5;
	v21 =	vmul.f32 v16, v17;
	v10 =	vsel vm2, v14, v10  }
0xa4: {  	v12 =	vmul.f32 v23, v18;
	v13 =	vmul.f32 v19, v20;
	v14 =	vsub.f32 $3.141592740e+00, v10  }
0xa5: {  	v11 =	vadd.f32 $-1.164328680e-01, v11;
	v15 =	vmul.f32 v16, v25;
	(erf) = vrcp.f32 v7  }
0xa6: {  	v27 =	vmul.f32 v22, v25;
	v28 =	vmul.f32 v13, v19;
	v10 =	vsel vm1, v14, v10  }
0xa7: {  	v29 =	vmul.f32 v11, v5;
	v12 =	vsub.f32 v15, v12;
	v15 =	vmul.f32 v23, v17;
	[tilespmem:s21+$0x4000] =	vst v10;
	s21 =	smov.u32 s22;
	s22 =	smov.u32 s16;
	s16 =	smov.u32 s23  }
0xa8: {  	v13 =	vmul.f32 v22, v17;
	v11 =	vmul.f32 v16, v18;
	s23 =	smov.u32 s26;
	s26 =	smov.u32 s30;
	v10 =	vsub.f32 $1.500000000e+00, v28  }
.Ltmp0:
0xa9: {  	v16 =	vmul.f32 v22, v18;
	v18 =	vadd.f32 $1.935434640e-01, v29;
	v14 =	vmul.f32 v12, v12;
	(pc) =	sbr.rel @p1 .LBB2_3-.Ltmp0, $4  }
0xaa: {  	v22 =	vsub.f32 v15, v27;
	v15 =	vmul.f32 v10, v19;
	(erf) = vrcp.f32 v8;
	v8 =	vmovc v26  }
0xab: {  	v17 =	vsub.f32 v16, v21;
	v12 =	vadd.f32 v24, v9;
	v10 =	vmul.f32 v18, v5  }
0xac: {  	vm1 =	vgt.f32 v7, $1.000000000e+00;
	v9 =	vmul.f32 v22, v22;
	v18 =	vmul.f32 v15, v20  }
0xad: {  	v16 =	vmul.f32 v23, v25;
	v19 =	vshrl.u32 v12, $0x1;
	v10 =	vadd.f32 $-3.326234820e-01, v10  }
0xae: {  	v20 =	vmul.f32 $5.000000000e-01, v12  }
0xaf: {  	v19 =	vsub.s32 $0x5F3759DF, v19  }
0xb0: {  	v21 =	vmul.f32 v19, v20;
	_ =	sdelay $0x1  }
0xb1: {  	v21 =	vmul.f32 v19, v21;
	_ =	sdelay $0x1  }
0xb2: {  	v21 =	vsub.f32 $1.500000000e+00, v21  }
0xb3: {  	v18 =	vmul.f32 v18, v15  }
0xb4: {  	v17 =	vmul.f32 v17, v17;
	v19 =	vmul.f32 v19, v21;
	_ =	sdelay $0x1  }
0xb5: {  	v18 =	vsub.f32 $1.500000000e+00, v18;
	v14 =	vadd.f32 v17, v14;
	v17 =	vmul.f32 v19, v20;
	_ =	sdelay $0x1  }
0xb6: {  	v15 =	vmul.f32 v18, v15;
	v9 =	vadd.f32 v14, v9  }
0xb7: {  	v14 =	vmul.f32 v17, v19  }
0xb8: {  	v6 =	vmul.f32 v15, v6;
	v15 =	vshrl.u32 v9, $0x1;
	v18 =	vmul.f32 $5.000000000e-01, v9;
	v17 =	vpop (erf)  }
0xb9: {  	v15 =	vsub.s32 $0x5F3759DF, v15;
	v14 =	vsub.f32 $1.500000000e+00, v14;
	v53 =	vpop (erf)  }
0xba: {  	v54 =	vmul.f32 v15, v18;
	v6 =	vmul.f32 v6, v53  }
0xbb: {  	v14 =	vmul.f32 v14, v19  }
0xbc: {  	v19 =	vmul.f32 v15, v54;
	(erf) = vrcp.f32 v6  }
0xbd: {  	(erf) = vrcp.f32 v8;
	v8 =	vmul.f32 v14, v20  }
0xbe: {  	v19 =	vsub.f32 $1.500000000e+00, v19  }
0xbf: {  	v8 =	vmul.f32 v8, v14  }
0xc0: {  	v15 =	vmul.f32 v15, v19  }
0xc1: {  	v13 =	vadd.f32 v16, v13;
	v8 =	vsub.f32 $1.500000000e+00, v8  }
0xc2: {  	v19 =	vmul.f32 v15, v18  }
0xc3: {  	v8 =	vmul.f32 v8, v14  }
0xc4: {  	v14 =	vmul.f32 v19, v15  }
0xc5: {  	v11 =	vadd.f32 v11, v13;
	v13 =	vpop (erf);
	v8 =	vmul.f32 v8, v12  }
0xc6: {  	v14 =	vsub.f32 $1.500000000e+00, v14;
	v12 =	vpop (erf)  }
0xc7: {  	v16 =	vand.u32 $0x7FFFFFFF, v11;
	v8 =	vmul.f32 v8, v12  }
0xc8: {  	v12 =	vadd.f32 $1.000000000e-30, v16;
	v14 =	vmul.f32 v14, v15  }
0xc9: {  	(erf) = vrcp.f32 v8  }
0xca: {  	(erf) = vrcp.f32 v12;
	v12 =	vmul.f32 v14, v18;
	_ =	sdelay $0x1  }
0xcb: {  	v12 =	vmul.f32 v12, v14;
	_ =	sdelay $0x1  }
0xcc: {  	v12 =	vsub.f32 $1.500000000e+00, v12;
	_ =	sdelay $0x1  }
0xcd: {  	v12 =	vmul.f32 v12, v14;
	_ =	sdelay $0x2  }
0xce: {  	v14 =	vpop (erf);
	v9 =	vmul.f32 v12, v9  }
0xcf: {  	v12 =	vpop (erf)  }
0xd0: {  	v9 =	vmul.f32 v9, v12;
	_ =	sdelay $0x1  }
0xd1: {  	(erf) = vrcp.f32 v9;
	_ =	sdelay $0x1  }
0xd2: {  	vm4 =	vmmov vm1  }
0xd3: {  	v7 =	vsel vm4, v17, v7  }
0xd4: {  	v12 =	vmul.f32 v7, v7  }
0xd5: {  	vm1 =	vgt.f32 v6, $1.000000000e+00  }
0xd6: {  	vm2 =	vmmov vm1;
	v15 =	vmul.f32 $-1.172120030e-02, v12  }
0xd7: {  	v6 =	vsel vm2, v13, v6;
	vm1 =	vgt.f32 v8, $1.000000000e+00  }
0xd8: {  	vm1 =	vmmov vm1;
	vm3 =	vgt.f32 v9, $1.000000000e+00;
	v15 =	vadd.f32 $5.265332010e-02, v15  }
0xd9: {  	v13 =	vmul.f32 v6, v6;
	v8 =	vsel vm1, v14, v8;
	vm3 =	vmmov vm3;
	v14 =	vpop (erf)  }
0xda: {  	v16 =	vmul.f32 v8, v8;
	v15 =	vmul.f32 v15, v12;
	v9 =	vsel vm3, v14, v9  }
0xdb: {  	v14 =	vmul.f32 $-1.172120030e-02, v13;
	v17 =	vmul.f32 v9, v9  }
0xdc: {  	v18 =	vmul.f32 $-1.172120030e-02, v16;
	v15 =	vadd.f32 $-1.164328680e-01, v15  }
0xdd: {  	v14 =	vadd.f32 $5.265332010e-02, v14;
	v19 =	vmul.f32 $-1.172120030e-02, v17  }
0xde: {  	v18 =	vadd.f32 $5.265332010e-02, v18;
	v15 =	vmul.f32 v15, v12  }
0xdf: {  	v14 =	vmul.f32 v14, v13;
	v19 =	vadd.f32 $5.265332010e-02, v19  }
0xe0: {  	v18 =	vmul.f32 v18, v16;
	v15 =	vadd.f32 $1.935434640e-01, v15  }
0xe1: {  	v14 =	vadd.f32 $-1.164328680e-01, v14;
	v19 =	vmul.f32 v19, v17  }
0xe2: {  	v18 =	vadd.f32 $-1.164328680e-01, v18;
	v15 =	vmul.f32 v15, v12  }
0xe3: {  	v14 =	vmul.f32 v14, v13;
	v19 =	vadd.f32 $-1.164328680e-01, v19  }
0xe4: {  	v5 =	vmul.f32 v10, v5;
	v10 =	vadd.f32 $-3.326234820e-01, v15;
	v15 =	vmul.f32 v18, v16  }
0xe5: {  	v14 =	vadd.f32 $1.935434640e-01, v14;
	v18 =	vmul.f32 v19, v17  }
0xe6: {  	v5 =	vadd.f32 $9.999772310e-01, v5;
	v10 =	vmul.f32 v10, v12;
	v12 =	vadd.f32 $1.935434640e-01, v15  }
0xe7: {  	v14 =	vmul.f32 v14, v13;
	v15 =	vadd.f32 $1.935434640e-01, v18  }
0xe8: {  	v4 =	vmul.f32 v5, v4;
	v5 =	vadd.f32 $9.999772310e-01, v10;
	v10 =	vmul.f32 v12, v16  }
0xe9: {  	v12 =	vadd.f32 $-3.326234820e-01, v14;
	v14 =	vmul.f32 v15, v17  }
0xea: {  	v5 =	vmul.f32 v5, v7;
	v7 =	vadd.f32 $-3.326234820e-01, v10;
	v15 =	vsub.f32 $1.570796370e+00, v4  }
0xeb: {  	vm0 =	vmmov vm0;
	v10 =	vmul.f32 v12, v13;
	v12 =	vadd.f32 $-3.326234820e-01, v14  }
0xec: {  	v7 =	vmul.f32 v7, v16;
	v13 =	vsub.f32 $1.570796370e+00, v5;
	v4 =	vsel vm0, v15, v4  }
0xed: {  	vm0 =	vmmov vm4;
	v10 =	vadd.f32 $9.999772310e-01, v10;
	v12 =	vmul.f32 v12, v17  }
0xee: {  	v7 =	vadd.f32 $9.999772310e-01, v7;
	v14 =	vsub.f32 $3.141592740e+00, v4;
	v5 =	vsel vm0, v13, v5  }
0xef: {  	vm0 =	vlt.f32 v0, $0.0e+00;
	v0 =	vmul.f32 v10, v6;
	v6 =	vadd.f32 $9.999772310e-01, v12  }
0xf0: {  	v7 =	vmul.f32 v7, v8;
	v4 =	vsel vm0, v14, v4;
	v10 =	vsub.f32 $3.141592740e+00, v5  }
0xf1: {  	vm0 =	vlt.f32 v1, $0.0e+00;
	v1 =	vsub.f32 $1.570796370e+00, v0;
	v6 =	vmul.f32 v6, v9  }
0xf2: {  	v8 =	vsub.f32 $1.570796370e+00, v7;
	v5 =	vsel vm0, v10, v5;
	vm0 =	vmmov vm2  }
0xf3: {  	v0 =	vsel vm0, v1, v0;
	vm0 =	vmmov vm1;
	v1 =	vsub.f32 $1.570796370e+00, v6  }
0xf4: {  	v9 =	vsub.f32 $3.141592740e+00, v0;
	v7 =	vsel vm0, v8, v7;
	vm0 =	vmmov vm3  }
0xf5: {  	[tilespmem:s21+$0x4000] =	vst v4;
	vm1 =	vlt.f32 v2, $0.0e+00;
	v2 =	vsub.f32 $3.141592740e+00, v7;
	v1 =	vsel vm0, v1, v6  }
0xf6: {  	[tilespmem:s22+$0x4000] =	vst v5;
	v0 =	vsel vm1, v9, v0;
	vm0 =	vlt.f32 v3, $0.0e+00;
	v3 =	vsub.f32 $3.141592740e+00, v1  }
0xf7: {  	p1 =	seq.s32 s10, $0x18;
	[tilespmem:s16+$0x4000] =	vst v0;
	v0 =	vsel vm0, v2, v7;
	vm0 =	vlt.f32 v11, $0.0e+00  }
0xf8: {  	s30 =	sshrl.u32 s28, $0x3;
	s14 =	sadd.s32 @!p1 s14, s13;
	[tilespmem:s23+$0x4000] =	vst v0;
	v0 =	vsel vm0, v3, v1  }
0xf9: {  	s14 =	sshrl.u32 @!p1 s14, $0x3;
	s16 =	sadd.s32 s3, s30;
	[tilespmem:s26+$0x4000] =	vst v0  }
0xfa: {  	[hbm4b:s16+s4] =	stream.linear.scatter [tilespmem:s18], [sflag:$0x2], $0x7D0, $0x38;
	[tilespmem:$0x9000] =	vst v63  }
0xfb: {  	s21 =	simm.s32 @!p1 $0x0;
	s16 =	sadd.s32 @!p1 s8, s14  }
0xfc: {  	[tilespmem:s21], [sflag:$0x5] =	stream.linear.gather @!p1 [hbm4b:s16+s21], $0x7D0, $0x38;
	[tilespmem:$0x9000] =	vst v63  }
0xfd: {  	s16 =	simm.s32 @!p1 $0x5  }
0xfe: {  	_ =	swait.ge @!p1 [sflag:s16], $0x7D0  }
0xff: {  	[sflag:s16] =	ssyncset.done @!p1 $0x0  }
0x100: {  	s22 =	simm.s32 @!p1 $0x800;
	s14 =	sadd.s32 @!p1 s9, s14;
	[sflag:s16] =	ssyncadd.s32 @!p1 $0xFFFFF830  }
0x101: {  	[tilespmem:s22], [sflag:$0x5] =	stream.linear.gather @!p1 [hbm4b:s14+s21], $0x7D0, $0x38;
	[tilespmem:$0x9000] =	vst v63  }
0x102: {  	_ =	swait.ge @!p1 [sflag:s16], $0x7D0  }
0x103: {  	[sflag:s16] =	ssyncset.done @!p1 $0x0  }
0x104: {  	s14 =	simm.s32 @!p1 $0x7D0;
	[sflag:s16] =	ssyncadd.s32 @!p1 $0xFFFFF830;
	s16 =	simm.s32 @!p1 $0x1000  }
0x105: {  	[tilespmem:s16], [sflag:$0x1] =	stream.indirect.gather @!p1 [hbm4b:s5+s14], $0x1, s21, s14, $0xb8;
	[tilespmem:$0x9000] =	vst v63  }
0x106: {  	s16 =	simm.s32 @!p1 $0x1800  }
0x107: {  	[tilespmem:s16], [sflag:$0x1] =	stream.indirect.gather @!p1 [hbm4b:s7+s14], $0x1, s21, s14, $0xb8;
	[tilespmem:$0x9000] =	vst v63  }
0x108: {  	s16 =	simm.s32 @!p1 $0x2000  }
0x109: {  	[tilespmem:s16], [sflag:$0x1] =	stream.indirect.gather @!p1 [hbm4b:s2+s14], $0x1, s21, s14, $0xb8;
	[tilespmem:$0x9000] =	vst v63  }
0x10a: {  	s16 =	simm.s32 @!p1 $0x2800  }
0x10b: {  	[tilespmem:s16], [sflag:$0x1] =	stream.indirect.gather @!p1 [hbm4b:s5+s14], $0x1, s22, s14, $0xb8;
	[tilespmem:$0x9000] =	vst v63  }
0x10c: {  	s16 =	simm.s32 @!p1 $0x3000  }
0x10d: {  	[tilespmem:s16], [sflag:$0x1] =	stream.indirect.gather @!p1 [hbm4b:s7+s14], $0x1, s22, s14, $0xb8;
	[tilespmem:$0x9000] =	vst v63  }
0x10e: {  	s16 =	simm.s32 @!p1 $0x3800  }
0x10f: {  	[tilespmem:s16], [sflag:$0x1] =	stream.indirect.gather @!p1 [hbm4b:s2+s14], $0x1, s22, s14, $0xb8;
	[tilespmem:$0x9000] =	vst v63  }
0x110: {  	_ =	swait.ge [sflag:s19], $0x7D0  }
0x111: {  	[sflag:s19] =	ssyncset.done $0x0  }
0x112: {  	[sflag:s19] =	ssyncadd.s32 $0xFFFFF830  }
0x113: {  	_ =	swait.ge [sflag:s19], $0x7D0  }
0x114: {  	[sflag:s19] =	ssyncset.done $0x0  }
0x115: {  	[sflag:s19] =	ssyncadd.s32 $0xFFFFF830  }
0x116: {  	_ =	swait.ge [sflag:s19], $0x7D0  }
0x117: {  	[sflag:s19] =	ssyncset.done $0x0  }
0x118: {  	[sflag:s19] =	ssyncadd.s32 $0xFFFFF830  }
0x119: {  	_ =	swait.ge [sflag:s19], $0x7D0  }
0x11a: {  	[sflag:s19] =	ssyncset.done $0x0  }
0x11b: {  	[sflag:s19] =	ssyncadd.s32 $0xFFFFF830  }
0x11c: {  	_ =	swait.ge [sflag:s19], $0x7D0  }
0x11d: {  	[sflag:s19] =	ssyncset.done $0x0  }
0x11e: {  	[sflag:s19] =	ssyncadd.s32 $0xFFFFF830  }
0x11f: {  	_ =	swait.ge [sflag:s19], $0x7D0  }
0x120: {  	[sflag:s19] =	ssyncset.done $0x0  }
0x121: {  	s14 =	simm.s32 @!p0 $0x4;
	[sflag:s19] =	ssyncadd.s32 $0xFFFFF830  }
0x122: {  	_ =	swait.ge @!p0 [sflag:s14], $0x7D0  }
0x123: {  	[sflag:s14] =	ssyncset.done @!p0 $0x0  }
0x124: {  	[sflag:s14] =	ssyncadd.s32 @!p0 $0xFFFFF830;
	s14 =	simm.s32 $0x0  }
0x125: {  	v0 =	vld [tilespmem:s14+$0x7000]  }
0x126: {  	v1 =	vld [tilespmem:s14+$0x8000]  }
0x127: {  	v2 =	vld [tilespmem:s14+$0x7800]  }
0x128: {  	v3 =	vld [tilespmem:s14+$0x5800]  }
0x129: {  	v4 =	vld [tilespmem:s14+$0x6800]  }
0x12a: {  	v5 =	vld [tilespmem:s14+$0x6000];
	_ =	sdelay $0x3  }
0x12b: {  	v6 =	vmul.f32 v1, v3;
	v7 =	vmul.f32 v2, v4  }
0x12c: {  	v8 =	vmul.f32 v1, v5;
	v9 =	vmul.f32 v0, v4  }
0x12d: {  	v10 =	vmul.f32 v0, v5  }
0x12e: {  	v7 =	vsub.f32 v8, v7;
	v8 =	vmul.f32 v2, v3;
	v6 =	vsub.f32 v9, v6;
	_ =	sdelay $0x1  }
0x12f: {  	v7 =	vmul.f32 v7, v7;
	v8 =	vsub.f32 v8, v10;
	v6 =	vmul.f32 v6, v6;
	_ =	sdelay $0x1  }
0x130: {  	v8 =	vmul.f32 v8, v8;
	v6 =	vadd.f32 v6, v7  }
0x131: {  	s21 =	simm.s32 $0x10  }
0x132: {  	v12 =	vld [tilespmem:s21+$0x6800];
	v6 =	vadd.f32 v6, v8  }
0x133: {  	v15 =	vld [tilespmem:s21+$0x7000]  }
0x134: {  	v9 =	vld [tilespmem:s21+$0x5800];
	v10 =	vshrl.u32 v6, $0x1;
	v11 =	vmul.f32 $5.000000000e-01, v6  }
0x135: {  	v7 =	vld [tilespmem:s21+$0x8000];
	v10 =	vsub.s32 $0x5F3759DF, v10  }
0x136: {  	v8 =	vld [tilespmem:s21+$0x7800];
	v14 =	vmul.f32 v10, v11  }
0x137: {  	v13 =	vld [tilespmem:s21+$0x6000]  }
0x138: {  	v14 =	vmul.f32 v10, v14  }
0x139: {  	v0 =	vmul.f32 v0, v3;
	v1 =	vmul.f32 v1, v4  }
0x13a: {  	v16 =	vmul.f32 v15, v12;
	v2 =	vmul.f32 v2, v5;
	v4 =	vsub.f32 $1.500000000e+00, v14  }
0x13b: {  	v3 =	vmul.f32 v7, v9;
	v5 =	vmul.f32 v8, v12  }
0x13c: {  	v14 =	vmul.f32 v7, v13;
	v4 =	vmul.f32 v10, v4  }
0x13d: {  	v0 =	vadd.f32 v2, v0;
	v2 =	vmul.f32 v15, v13;
	v3 =	vsub.f32 v16, v3  }
0x13e: {  	v5 =	vsub.f32 v14, v5;
	v10 =	vmul.f32 v8, v9;
	v14 =	vmul.f32 v4, v11  }
0x13f: {  	v0 =	vadd.f32 v1, v0;
	v3 =	vmul.f32 v3, v3  }
0x140: {  	v1 =	vmul.f32 v5, v5;
	v2 =	vsub.f32 v10, v2;
	v5 =	vmul.f32 v14, v4  }
0x141: {  	v10 =	vand.u32 $0x7FFFFFFF, v0  }
0x142: {  	s16 =	simm.s32 $0x20;
	v2 =	vmul.f32 v2, v2;
	v1 =	vadd.f32 v3, v1;
	v3 =	vsub.f32 $1.500000000e+00, v5  }
0x143: {  	v14 =	vld [tilespmem:s16+$0x7800];
	v5 =	vadd.f32 $1.000000000e-30, v10  }
0x144: {  	v10 =	vld [tilespmem:s16+$0x8000];
	v16 =	vadd.f32 v1, v2;
	v3 =	vmul.f32 v3, v4  }
0x145: {  	v2 =	vld [tilespmem:s16+$0x5800];
	(erf) = vrcp.f32 v5  }
0x146: {  	v4 =	vld [tilespmem:s16+$0x6800];
	v5 =	vshrl.u32 v16, $0x1;
	v1 =	vmul.f32 v3, v11;
	v11 =	vmul.f32 $5.000000000e-01, v16  }
0x147: {  	v9 =	vmul.f32 v15, v9;
	v8 =	vmul.f32 v8, v13;
	v13 =	vld [tilespmem:s16+$0x6000];
	v5 =	vsub.s32 $0x5F3759DF, v5  }
0x148: {  	v15 =	vld [tilespmem:s16+$0x7000];
	v1 =	vmul.f32 v1, v3;
	v17 =	vmul.f32 v5, v11  }
0x149: {  	v7 =	vmul.f32 v7, v12;
	v8 =	vadd.f32 v8, v9  }
0x14a: {  	v19 =	vmul.f32 v14, v2;
	v9 =	vsub.f32 $1.500000000e+00, v1;
	v12 =	vmul.f32 v5, v17  }
0x14b: {  	s22 =	simm.s32 $0x30;
	v1 =	vadd.f32 v7, v8;
	v7 =	vmul.f32 v10, v2;
	v8 =	vmul.f32 v14, v4  }
0x14c: {  	v18 =	vld [tilespmem:s22+$0x8000];
	v17 =	vmul.f32 v10, v13;
	v3 =	vmul.f32 v9, v3;
	v9 =	vsub.f32 $1.500000000e+00, v12  }
0x14d: {  	v20 =	vld [tilespmem:s22+$0x7800];
	v2 =	vmul.f32 v15, v2;
	v12 =	vmul.f32 v15, v13  }
0x14e: {  	v22 =	vld [tilespmem:s22+$0x5800];
	v55 =	vand.u32 $0x7FFFFFFF, v1;
	v3 =	vmul.f32 v3, v6;
	v5 =	vmul.f32 v5, v9  }
0x14f: {  	v8 =	vsub.f32 v17, v8;
	v17 =	vld [tilespmem:s22+$0x6000];
	v56 =	vpop (erf);
	v9 =	vmul.f32 v15, v4;
	v4 =	vmul.f32 v10, v4  }
0x150: {  	v6 =	vadd.f32 $1.000000000e-30, v55;
	v15 =	vld [tilespmem:s22+$0x6800];
	v3 =	vmul.f32 v3, v56;
	v57 =	vmul.f32 v5, v11  }
0x151: {  	v10 =	vsub.f32 v19, v12;
	v12 =	vmul.f32 v14, v13;
	v13 =	vld [tilespmem:s22+$0x7000];
	v8 =	vmul.f32 v8, v8  }
0x152: {  	v7 =	vsub.f32 v9, v7;
	(erf) = vrcp.f32 v3;
	v9 =	vmul.f32 v57, v5  }
0x153: {  	v10 =	vmul.f32 v10, v10;
	v2 =	vadd.f32 v12, v2;
	v12 =	vmul.f32 v18, v22  }
0x154: {  	v14 =	vmul.f32 v18, v17;
	v7 =	vmul.f32 v7, v7;
	v9 =	vsub.f32 $1.500000000e+00, v9  }
0x155: {  	v2 =	vadd.f32 v4, v2;
	vm0 =	vgt.f32 v3, $1.000000000e+00;
	v4 =	vmul.f32 v20, v15  }
0x156: {  	v19 =	vmul.f32 v13, v22;
	v7 =	vadd.f32 v7, v8;
	v9 =	vmul.f32 v9, v5  }
0x157: {  	(erf) = vrcp.f32 v6;
	v8 =	vmul.f32 v13, v17;
	v4 =	vsub.f32 v14, v4  }
0x158: {  	v17 =	vmul.f32 v20, v17;
	v6 =	vadd.f32 v7, v10;
	v5 =	vmul.f32 v9, v11  }
0x159: {  	s23 =	simm.s32 $0x40;
	vm0 =	vmmov vm0;
	v14 =	vmul.f32 v20, v22;
	v7 =	vmul.f32 v18, v15  }
0x15a: {  	v23 =	vld [tilespmem:s23+$0x5800];
	v11 =	vshrl.u32 v6, $0x1;
	v18 =	vmul.f32 $5.000000000e-01, v6;
	v5 =	vmul.f32 v5, v9  }
0x15b: {  	v20 =	vld [tilespmem:s23+$0x7800];
	v10 =	vmul.f32 v13, v15;
	v13 =	vmul.f32 v4, v4;
	v11 =	vsub.s32 $0x5F3759DF, v11;
	v4 =	vpop (erf)  }
0x15c: {  	v15 =	vld [tilespmem:s23+$0x8000];
	v4 =	vsel vm0, v4, v3;
	v3 =	vmul.f32 v11, v18;
	v58 =	vsub.f32 $1.500000000e+00, v5  }
0x15d: {  	v17 =	vadd.f32 v17, v19;
	v19 =	vld [tilespmem:s23+$0x6000];
	v5 =	vmul.f32 v4, v4  }
0x15e: {  	v10 =	vsub.f32 v10, v12;
	v3 =	vmul.f32 v11, v3;
	v9 =	vmul.f32 v58, v9  }
0x15f: {  	v24 =	vld [tilespmem:s23+$0x7000];
	v59 =	vand.u32 $0x7FFFFFFF, v2;
	v8 =	vsub.f32 v14, v8;
	v14 =	vmul.f32 $-1.172120030e-02, v5  }
0x160: {  	v12 =	vld [tilespmem:s23+$0x6800];
	v27 =	vmul.f32 v20, v23;
	v60 =	vsub.f32 $1.500000000e+00, v3;
	v9 =	vmul.f32 v9, v16  }
0x161: {  	v16 =	vmul.f32 v8, v8;
	v8 =	vmul.f32 v10, v10;
	v14 =	vadd.f32 $5.265332010e-02, v14  }
0x162: {  	v61 =	vmul.f32 v15, v19;
	v10 =	vpop (erf);
	v3 =	vadd.f32 v7, v17;
	v17 =	vmul.f32 v11, v60  }
0x163: {  	v7 =	vmul.f32 v9, v10;
	v9 =	vadd.f32 v8, v13;
	v8 =	vmul.f32 v14, v5  }
0x164: {  	v22 =	vadd.f32 $1.000000000e-30, v59;
	v26 =	vmul.f32 v24, v19;
	v14 =	vmul.f32 v17, v18  }
0x165: {  	v10 =	vmul.f32 v15, v23;
	v13 =	vmul.f32 v20, v12;
	v25 =	vadd.f32 $-1.164328680e-01, v8  }
0x166: {  	v11 =	vand.u32 $0x7FFFFFFF, v3;
	(erf) = vrcp.f32 v7;
	v14 =	vmul.f32 v14, v17  }
0x167: {  	v21 =	vsub.f32 v61, v13;
	v13 =	vmul.f32 v24, v23;
	v25 =	vmul.f32 v25, v5  }
0x168: {  	v8 =	vadd.f32 $1.000000000e-30, v11;
	v11 =	vmul.f32 v15, v12;
	v15 =	vsub.f32 $1.500000000e+00, v14  }
0x169: {  	v12 =	vmul.f32 v24, v12;
	(erf) = vrcp.f32 v22;
	v62 =	vadd.f32 $1.935434640e-01, v25  }
0x16a: {  	v63 =	vsub.f32 v27, v26;
	v14 =	vmul.f32 v21, v21;
	v15 =	vmul.f32 v15, v17  }
0x16b: {  	v17 =	vsub.f32 v12, v10;
	v12 =	vadd.f32 v9, v16;
	v10 =	vmul.f32 v62, v5  }
0x16c: {  	vm1 =	vgt.f32 v7, $1.000000000e+00;
	v9 =	vmul.f32 v63, v63;
	v16 =	vmul.f32 v20, v19  }
0x16d: {  	s26 =	simm.s32 $0x140;
	v18 =	vmul.f32 v15, v18;
	v19 =	vshrl.u32 v12, $0x1;
	v10 =	vadd.f32 $-3.326234820e-01, v10  }
.LBB2_5:
0x16e: {  	v19 =	vsub.s32 $0x5F3759DF, v19;
	v20 =	vmul.f32 $5.000000000e-01, v12  }
0x16f: {  	s28 =	sshra.s32 s26, $0x2;
	p0 =	sne.s32 s26, $0x1F00;
	s26 =	sadd.s32 $0x40, s26;
	v18 =	vmul.f32 v18, v15;
	v21 =	vpop (erf);
	vm2 =	vmmov vm0;
	vm0 =	vmmov vm1  }
0x170: {  	v22 =	vld [tilespmem:s28+$0x7000];
	v13 =	vadd.f32 v16, v13;
	v7 =	vsel vm0, v21, v7;
	v10 =	vmul.f32 v10, v5  }
0x171: {  	v16 =	vld [tilespmem:s28+$0x8000];
	v21 =	vmul.f32 v19, v20;
	v18 =	vsub.f32 $1.500000000e+00, v18;
	v5 =	vmul.f32 v7, v7  }
0x172: {  	v25 =	vmul.f32 v17, v17;
	v23 =	vld [tilespmem:s28+$0x7800];
	v11 =	vadd.f32 v11, v13;
	v10 =	vadd.f32 $9.999772310e-01, v10  }
0x173: {  	v17 =	vld [tilespmem:s28+$0x5800];
	v21 =	vmul.f32 v19, v21;
	v15 =	vmul.f32 v18, v15  }
0x174: {  	v24 =	vadd.f32 v25, v14;
	v14 =	vmul.f32 $-1.172120030e-02, v5;
	v18 =	vld [tilespmem:s28+$0x6800];
	v13 =	vpop (erf);
	v10 =	vmul.f32 v10, v4  }
0x175: {  	v26 =	vand.u32 $0x7FFFFFFF, v11;
	v4 =	vmovc v7;
	v25 =	vld [tilespmem:s28+$0x6000];
	v21 =	vsub.f32 $1.500000000e+00, v21;
	v15 =	vmul.f32 v15, v6;
	v6 =	vmovc v12  }
0x176: {  	vm1 =	vlt.f32 v0, $0.0e+00;
	v0 =	vmovc v1;
	v1 =	vmovc v2;
	v12 =	vadd.f32 $5.265332010e-02, v14;
	v14 =	vsub.f32 $1.570796370e+00, v10  }
0x177: {  	v2 =	vmovc v3;
	v3 =	vmovc v11;
	v26 =	vadd.f32 $1.000000000e-30, v26;
	v19 =	vmul.f32 v19, v21;
	v7 =	vmul.f32 v15, v13  }
0x178: {  	v11 =	vmul.f32 v12, v5;
	v21 =	vmul.f32 v16, v17;
	v10 =	vsel vm2, v14, v10  }
0x179: {  	v12 =	vmul.f32 v23, v18;
	v13 =	vmul.f32 v19, v20;
	v14 =	vsub.f32 $3.141592740e+00, v10  }
0x17a: {  	v11 =	vadd.f32 $-1.164328680e-01, v11;
	v15 =	vmul.f32 v16, v25;
	(erf) = vrcp.f32 v7  }
0x17b: {  	v27 =	vmul.f32 v22, v25;
	v28 =	vmul.f32 v13, v19;
	v10 =	vsel vm1, v14, v10  }
0x17c: {  	v29 =	vmul.f32 v11, v5;
	v12 =	vsub.f32 v15, v12;
	v15 =	vmul.f32 v23, v17;
	[tilespmem:s14+$0x8800] =	vst v10;
	s14 =	smov.u32 s21;
	s21 =	smov.u32 s16;
	s16 =	smov.u32 s22  }
0x17d: {  	v13 =	vmul.f32 v22, v17;
	v11 =	vmul.f32 v16, v18;
	s22 =	smov.u32 s23;
	s23 =	smov.u32 s28;
	v10 =	vsub.f32 $1.500000000e+00, v28  }
.Ltmp1:
0x17e: {  	v16 =	vmul.f32 v22, v18;
	v18 =	vadd.f32 $1.935434640e-01, v29;
	v14 =	vmul.f32 v12, v12;
	(pc) =	sbr.rel @p0 .LBB2_5-.Ltmp1, $4  }
0x17f: {  	v22 =	vsub.f32 v15, v27;
	v15 =	vmul.f32 v10, v19;
	(erf) = vrcp.f32 v8;
	v8 =	vmovc v26  }
0x180: {  	v17 =	vsub.f32 v16, v21;
	v12 =	vadd.f32 v24, v9;
	v10 =	vmul.f32 v18, v5  }
0x181: {  	vm1 =	vgt.f32 v7, $1.000000000e+00;
	v9 =	vmul.f32 v22, v22;
	v18 =	vmul.f32 v15, v20  }
0x182: {  	v16 =	vmul.f32 v23, v25;
	v19 =	vshrl.u32 v12, $0x1;
	v10 =	vadd.f32 $-3.326234820e-01, v10  }
0x183: {  	v20 =	vmul.f32 $5.000000000e-01, v12  }
0x184: {  	v19 =	vsub.s32 $0x5F3759DF, v19  }
0x185: {  	v21 =	vmul.f32 v19, v20;
	_ =	sdelay $0x1  }
0x186: {  	v21 =	vmul.f32 v19, v21;
	_ =	sdelay $0x1  }
0x187: {  	v21 =	vsub.f32 $1.500000000e+00, v21  }
0x188: {  	v18 =	vmul.f32 v18, v15;
	v17 =	vmul.f32 v17, v17  }
0x189: {  	v19 =	vmul.f32 v19, v21  }
0x18a: {  	v18 =	vsub.f32 $1.500000000e+00, v18;
	v14 =	vadd.f32 v17, v14  }
0x18b: {  	v56 =	vmul.f32 v19, v20  }
0x18c: {  	v57 =	vmul.f32 v18, v15;
	v9 =	vadd.f32 v14, v9  }
0x18d: {  	v58 =	vmul.f32 v56, v19  }
0x18e: {  	v59 =	vpop (erf);
	v6 =	vmul.f32 v57, v6;
	v60 =	vshrl.u32 v9, $0x1;
	v61 =	vmul.f32 $5.000000000e-01, v9  }
0x18f: {  	v62 =	vpop (erf);
	v15 =	vsub.s32 $0x5F3759DF, v60;
	v14 =	vsub.f32 $1.500000000e+00, v58  }
0x190: {  	v6 =	vmul.f32 v6, v62;
	v63 =	vmul.f32 v15, v61  }
0x191: {  	v14 =	vmul.f32 v14, v19  }
0x192: {  	(erf) = vrcp.f32 v6;
	v21 =	vmul.f32 v15, v63  }
0x193: {  	(erf) = vrcp.f32 v8;
	v22 =	vmul.f32 v14, v20  }
0x194: {  	v19 =	vsub.f32 $1.500000000e+00, v21  }
0x195: {  	v8 =	vmul.f32 v22, v14  }
0x196: {  	v15 =	vmul.f32 v15, v19  }
0x197: {  	v8 =	vsub.f32 $1.500000000e+00, v8  }
0x198: {  	v19 =	vmul.f32 v15, v61  }
0x199: {  	v13 =	vadd.f32 v16, v13;
	v8 =	vmul.f32 v8, v14  }
0x19a: {  	v23 =	vmul.f32 v19, v15  }
0x19b: {  	v11 =	vadd.f32 v11, v13;
	v24 =	vpop (erf);
	v8 =	vmul.f32 v8, v12  }
0x19c: {  	v25 =	vpop (erf);
	v14 =	vsub.f32 $1.500000000e+00, v23  }
0x19d: {  	v26 =	vand.u32 $0x7FFFFFFF, v11;
	v8 =	vmul.f32 v8, v25  }
0x19e: {  	v27 =	vadd.f32 $1.000000000e-30, v26;
	v14 =	vmul.f32 v14, v15  }
0x19f: {  	(erf) = vrcp.f32 v8  }
0x1a0: {  	v28 =	vmul.f32 v14, v61;
	(erf) = vrcp.f32 v27;
	_ =	sdelay $0x1  }
0x1a1: {  	v12 =	vmul.f32 v28, v14;
	_ =	sdelay $0x1  }
0x1a2: {  	v12 =	vsub.f32 $1.500000000e+00, v12;
	_ =	sdelay $0x1  }
0x1a3: {  	v12 =	vmul.f32 v12, v14;
	_ =	sdelay $0x1  }
0x1a4: {  	v9 =	vmul.f32 v12, v9;
	v29 =	vpop (erf)  }
0x1a5: {  	v30 =	vpop (erf)  }
0x1a6: {  	v9 =	vmul.f32 v9, v30;
	_ =	sdelay $0x1  }
0x1a7: {  	(erf) = vrcp.f32 v9;
	_ =	sdelay $0x2  }
0x1a8: {  	vm4 =	vmmov vm1  }
0x1a9: {  	v7 =	vsel vm4, v59, v7  }
0x1aa: {  	v31 =	vmul.f32 v7, v7  }
0x1ab: {  	vm5 =	vgt.f32 v6, $1.000000000e+00  }
0x1ac: {  	v32 =	vmul.f32 $-1.172120030e-02, v31;
	vm2 =	vmmov vm5;
	vm6 =	vgt.f32 v8, $1.000000000e+00  }
0x1ad: {  	v6 =	vsel vm2, v24, v6;
	vm1 =	vmmov vm6;
	vm3 =	vgt.f32 v9, $1.000000000e+00  }
0x1ae: {  	v13 =	vmul.f32 v6, v6;
	v8 =	vsel vm1, v29, v8;
	vm3 =	vmmov vm3;
	v33 =	vpop (erf)  }
0x1af: {  	v15 =	vadd.f32 $5.265332010e-02, v32;
	v34 =	vmul.f32 v8, v8;
	v9 =	vsel vm3, v33, v9  }
0x1b0: {  	v35 =	vmul.f32 $-1.172120030e-02, v13;
	v36 =	vmul.f32 v9, v9  }
0x1b1: {  	v15 =	vmul.f32 v15, v31;
	v37 =	vmul.f32 $-1.172120030e-02, v34  }
0x1b2: {  	v14 =	vadd.f32 $5.265332010e-02, v35;
	v38 =	vmul.f32 $-1.172120030e-02, v36  }
0x1b3: {  	v15 =	vadd.f32 $-1.164328680e-01, v15;
	v18 =	vadd.f32 $5.265332010e-02, v37  }
0x1b4: {  	v14 =	vmul.f32 v14, v13;
	v19 =	vadd.f32 $5.265332010e-02, v38  }
0x1b5: {  	v15 =	vmul.f32 v15, v31;
	v18 =	vmul.f32 v18, v34  }
0x1b6: {  	v14 =	vadd.f32 $-1.164328680e-01, v14;
	v19 =	vmul.f32 v19, v36  }
0x1b7: {  	v15 =	vadd.f32 $1.935434640e-01, v15;
	v18 =	vadd.f32 $-1.164328680e-01, v18  }
0x1b8: {  	v14 =	vmul.f32 v14, v13;
	v19 =	vadd.f32 $-1.164328680e-01, v19  }
0x1b9: {  	v15 =	vmul.f32 v15, v31;
	v40 =	vmul.f32 v18, v34  }
0x1ba: {  	v5 =	vmul.f32 v10, v5;
	v14 =	vadd.f32 $1.935434640e-01, v14;
	v41 =	vmul.f32 v19, v36  }
0x1bb: {  	v39 =	vadd.f32 $-3.326234820e-01, v15;
	v42 =	vadd.f32 $1.935434640e-01, v40  }
0x1bc: {  	v5 =	vadd.f32 $9.999772310e-01, v5;
	v14 =	vmul.f32 v14, v13;
	v43 =	vadd.f32 $1.935434640e-01, v41  }
0x1bd: {  	vm0 =	vmmov vm0;
	v10 =	vmul.f32 v39, v31;
	v45 =	vmul.f32 v42, v34  }
0x1be: {  	v4 =	vmul.f32 v5, v4;
	v46 =	vadd.f32 $-3.326234820e-01, v14;
	v47 =	vmul.f32 v43, v36  }
0x1bf: {  	vm8 =	vlt.f32 v0, $0.0e+00;
	v44 =	vadd.f32 $9.999772310e-01, v10;
	v49 =	vadd.f32 $-3.326234820e-01, v45  }
0x1c0: {  	v48 =	vsub.f32 $1.570796370e+00, v4;
	v50 =	vmul.f32 v46, v13;
	v51 =	vadd.f32 $-3.326234820e-01, v47  }
0x1c1: {  	vm9 =	vlt.f32 v1, $0.0e+00;
	v5 =	vmul.f32 v44, v7;
	v7 =	vmul.f32 v49, v34  }
0x1c2: {  	v4 =	vsel vm0, v48, v4;
	v10 =	vadd.f32 $9.999772310e-01, v50;
	v12 =	vmul.f32 v51, v36  }
0x1c3: {  	vm13 =	vlt.f32 v2, $0.0e+00;
	v53 =	vsub.f32 $3.141592740e+00, v4;
	v7 =	vadd.f32 $9.999772310e-01, v7  }
0x1c4: {  	vm7 =	vmmov vm4;
	v54 =	vmul.f32 v10, v6;
	v55 =	vadd.f32 $9.999772310e-01, v12  }
0x1c5: {  	v4 =	vsel vm8, v53, v4;
	v52 =	vsub.f32 $1.570796370e+00, v5;
	v7 =	vmul.f32 v7, v8  }
0x1c6: {  	vm10 =	vmmov vm2;
	v57 =	vsub.f32 $1.570796370e+00, v54;
	v6 =	vmul.f32 v55, v9  }
0x1c7: {  	vm11 =	vmmov vm1;
	v5 =	vsel vm7, v52, v5;
	v8 =	vsub.f32 $1.570796370e+00, v7  }
0x1c8: {  	v56 =	vsub.f32 $3.141592740e+00, v5;
	v0 =	vsel vm10, v57, v54;
	v58 =	vsub.f32 $1.570796370e+00, v6  }
0x1c9: {  	s10 =	sadd.s32 $0x1, s10;
	vm12 =	vmmov vm3;
	v59 =	vsub.f32 $3.141592740e+00, v0;
	v7 =	vsel vm11, v8, v7  }
0x1ca: {  	p0 =	sne.s32 s10, $0x19;
	[tilespmem:s14+$0x8800] =	vst v4;
	v5 =	vsel vm9, v56, v5;
	v60 =	vsub.f32 $3.141592740e+00, v7;
	v1 =	vsel vm12, v58, v6  }
.Ltmp2:
0x1cb: {  	vm14 =	vlt.f32 v3, $0.0e+00;
	[tilespmem:s21+$0x8800] =	vst v5;
	v0 =	vsel vm13, v59, v0;
	v61 =	vsub.f32 $3.141592740e+00, v1;
	(pc) =	sbr.rel @p0 .LBB2_2-.Ltmp2, $4  }
0x1cc: {  	vm15 =	vlt.f32 v11, $0.0e+00;
	[tilespmem:s16+$0x8800] =	vst v0;
	v62 =	vsel vm14, v60, v7  }
0x1cd: {  	[tilespmem:s22+$0x8800] =	vst v62;
	v63 =	vsel vm15, v61, v1  }
0x1ce: {  	s11 =	sadd.s32 s3, s11;
	[tilespmem:s23+$0x8800] =	vst v63  }
0x1cf: {  	[hbm4b:s11+s4] =	stream.linear.scatter [tilespmem:s20], [sflag:$0x4], $0x7D0, $0x38;
	[tilespmem:$0x9000] =	vst v63  }
0x1d0: {  	s10 =	simm.s32 $0x2  }
0x1d1: {  	_ =	swait.ge [sflag:s10], $0x7D0  }
0x1d2: {  	[sflag:s10] =	ssyncset.done $0x0  }
0x1d3: {  	s11 =	simm.s32 $0x4;
	[sflag:s10] =	ssyncadd.s32 $0xFFFFF830  }
0x1d4: {  	_ =	swait.ge [sflag:s11], $0x7D0  }
0x1d5: {  	s14 =	rddreg [dreg:$0x6]  }
0x1d6: {  	s30 =	rddreg [dreg:$0x5];
	s14 =	sadd.s32 $0x1, s14  }
0x1d7: {  	p0 =	sne.s32 s14, s30  }
.Ltmp3:
0x1d8: {  	_ = 	snop;
	(pc) =	sbr.rel @p0 .LBB2_1-.Ltmp3, $3  }
0x1d9: {  	_ =	sdelay $0x1  }
0x1da: {  	[sflag:s11] =	ssyncset.done $0x0  }
0x1db: {  	[sflag:s11] =	ssyncadd.s32 $0xFFFFF830  }
0x1dc: {  	_ =	sfence.sel $0x180000  }
0x1dd: {  	[bflag:$0x0] =	sbarrier.arrive $0xFFFF  }
0x1de: {  	_ =	strace $0x90000047  }
0x1df: {  	s0 =	stileid.u32;
	[bflag:$0x2] =	sbarrier.arrive $0xFFFF  }
0x1e0: {  	p0 =	sne.s32 s0, $0x0;
	s0 =	rddreg [dreg:$0x2]  }
0x1e1: {  	s0 =	sadd.s32 @!p0 $0x100000, s0  }
0x1e2: {  	[sflag:s0] =	ssyncadd.tile.s32 @!p0 $0x1;
	_ =	shalt  }
.Lfunc_end2:
_tile_overlayer_lowered:
.L_overlay_start_2:
0x1e3: {  	(tag) =	ssettag $0x2  }
0x1e4: {  	s0 =	rddreg [dreg:$0x0];
	s2 =	stileid.u32  }
0x1e5: {  	s1 =	rddreg [dreg:$0x1];
	p0 =	sne.s32 s2, $0x0  }
0x1e6: {  	s3 =	rddreg [dreg:$0x2];
	[bflag:$0x3] =	sbarrier.arrive $0xFFFF;
	s2 =	simm.s32 @!p0 $0x1C05  }
0x1e7: {  	[timem:s3], [sflag:s2] =	dma.local @!p0 [hbm:s0], s1  }
0x1e8: {  	s0 =	simm.s32 @!p0 $0x5  }
0x1e9: {  	_ =	swait.ge @!p0 [sflag:s0], s1  }
0x1ea: {  	s1 =	ssub.s32 @!p0 $0x0, s1;
	[sflag:s0] =	ssyncset.done @!p0 $0x0  }
0x1eb: {  	[sflag:s0] =	ssyncadd.s32 @!p0 s1  }
0x1ec: {  	[bflag:$0x3] =	sbarrier.arrive $0xFFFF  }
0x1ed: {  	_ =	shalt  }

</sc_bundles>
